<compile_context>
chip_gen: v7x
topology: tpu7x:2x2x1
jax: 0.10.2.dev20260603
libtpu: 0.0.44.dev20260713+nightly
codegen_flags: <defaults>
</compile_context>

<pallas_src>
import functools

import jax
import jax.numpy as jnp
from jax import lax
from jax.experimental import pallas as pl
from jax.experimental.pallas import tpu as pltpu
from jax.experimental.pallas import tpu_sc as plsc

AUDIO_INPUT_TOKEN_ID = 0
L = 16
NC = 2
NS = 16
NW = NC * NS
NBUF = 4
CB = 8


def _scatter_body(embeds_hbm, ids_hbm, audio_hbm, out_hbm,
                  ids_v, big, gidx_v, sidx_v,
                  r0, r1, r2, r3, w0, w1, w2, w3, *, T, D, rpw):
    bufs = tuple(big.at[pl.ds(b * CB, CB)] for b in range(NBUF))
    rsems = (r0, r1, r2, r3)
    wsems = (w0, w1, w2, w3)

    wid = lax.axis_index("s") * NC + lax.axis_index("c")
    base = pl.multiple_of(wid * rpw, 8)

    pltpu.sync_copy(ids_hbm, ids_v)

    UNROLL = 8

    def _count(j, acc):
        for u in range(UNROLL):
            v = ids_v[pl.ds(j * (UNROLL * L) + u * L, L)]
            acc = acc + jnp.where(v == AUDIO_INPUT_TOKEN_ID,
                                  jnp.int32(1), jnp.int32(0))
        return acc

    zero_v = jnp.zeros((L,), jnp.int32)
    nb = base // (UNROLL * L)
    cb = lax.fori_loop(0, nb, _count, zero_v)
    ci = lax.fori_loop(nb, nb + rpw // (UNROLL * L), _count, zero_v)
    c0 = jnp.sum(cb)
    cnt_in = jnp.sum(ci)

    fast = (cnt_in == rpw) & (c0 % 8 == 0)

    @pl.when(fast)
    def _fast():
        c0a = pl.multiple_of(c0, 8)
        nch = rpw // CB

        def _read(jj, buf, sem):
            off = pl.multiple_of(c0a + jj * CB, 8)
            pltpu.async_copy(audio_hbm.at[pl.ds(off, CB)], buf, sem)

        def _write(jj, buf, sem):
            off = pl.multiple_of(base + jj * CB, 8)
            pltpu.async_copy(buf, out_hbm.at[pl.ds(off, CB)], sem)

        def _wait_read(buf, sem):
            pltpu.make_async_copy(audio_hbm.at[pl.ds(0, CB)], buf, sem).wait()

        def _wait_write(buf, sem):
            pltpu.make_async_copy(buf, out_hbm.at[pl.ds(0, CB)], sem).wait()

        for b in range(NBUF):
            _read(b, bufs[b], rsems[b])

        def _pipe(i, _):
            j0 = NBUF * i
            for b in range(NBUF):
                _wait_read(bufs[b], rsems[b])
                _write(j0 + b, bufs[b], wsems[b])
            for b in range(NBUF):
                _wait_write(bufs[b], wsems[b])

                @pl.when(j0 + NBUF + b < nch)
                def _(b=b, j0=j0):
                    _read(j0 + NBUF + b, bufs[b], rsems[b])

            return 0

        lax.fori_loop(0, nch // NBUF, _pipe, 0)

    @pl.when(jnp.logical_not(fast))
    def _general():
        tbuf = big.at[pl.ds(0, L)]
        abuf = big.at[pl.ds(L, L)]

        def _chunk(j, c):
            off = pl.multiple_of(base + j * L, 8)
            v = ids_v[pl.ds(off, L)]
            m = v == AUDIO_INPUT_TOKEN_ID
            one = jnp.where(m, jnp.int32(1), jnp.int32(0))
            cntc = jnp.sum(one)
            rank = plsc.cumsum(one) - 1
            rows = off + lax.iota(jnp.int32, L)

            pltpu.sync_copy(embeds_hbm.at[pl.ds(off, L)], tbuf)
            pltpu.sync_copy(tbuf, out_hbm.at[pl.ds(off, L)])

            @pl.when(cntc > 0)
            def _():
                gidx_v[...] = c + jnp.where(m, rank, jnp.int32(0))
                row_first = jnp.min(
                    jnp.where(m, rows, jnp.int32(2**31 - 1)))
                sidx_v[...] = jnp.where(m, rows, row_first)
                pltpu.async_copy(audio_hbm.at[gidx_v], abuf, r0).wait()
                pltpu.async_copy(abuf, out_hbm.at[sidx_v], w0).wait()

            return c + cntc

        lax.fori_loop(0, rpw // L, _chunk, c0)


def kernel(inputs_embeds, input_ids, audio_input_embeddings):
    T, D = inputs_embeds.shape
    rpw = T // NW
    ids32 = input_ids.astype(jnp.int32)

    mesh = plsc.VectorSubcoreMesh(core_axis_name="c", subcore_axis_name="s")
    body = functools.partial(_scatter_body, T=T, D=D, rpw=rpw)
    run = pl.kernel(
        body,
        out_type=jax.ShapeDtypeStruct((T, D), jnp.float32),
        mesh=mesh,
        compiler_params=pltpu.CompilerParams(needs_layout_passes=False),
        scratch_types=[
            pltpu.VMEM((T,), jnp.int32),
            pltpu.VMEM((NBUF * CB, D), jnp.float32),
            pltpu.VMEM((L,), jnp.int32),
            pltpu.VMEM((L,), jnp.int32),
            pltpu.SemaphoreType.DMA,
            pltpu.SemaphoreType.DMA,
            pltpu.SemaphoreType.DMA,
            pltpu.SemaphoreType.DMA,
            pltpu.SemaphoreType.DMA,
            pltpu.SemaphoreType.DMA,
            pltpu.SemaphoreType.DMA,
            pltpu.SemaphoreType.DMA,
        ],
    )
    return run(inputs_embeds, ids32, audio_input_embeddings)

# --- scband reference (transcript-rebuilt; emitter-appended) ---
"""Pipeline reference for scband-raon-model-61014305407786 (READ-ONLY COPY).

The authoritative reference and input builder live on the scoring server;
editing this copy changes nothing except your own understanding.
"""

import jax, jax.numpy as jnp
import numpy as np

T = 32768
D = 2048
AUDIO_INPUT_TOKEN_ID = 0

def setup_inputs(seed: int = 0) -> dict:
    key = jax.random.key(seed)
    k1, k2 = jax.random.split(key)
    inputs_embeds = jax.random.normal(k1, (T, D), dtype=jnp.float32)
    # Deterministic alignment: every position is an audio placeholder, so the
    # number of placeholders exactly equals the number of audio embedding frames.
    input_ids = jnp.zeros((T,), dtype=jnp.int64)
    audio_input_embeddings = jax.random.normal(k2, (T, D), dtype=jnp.float32)
    return {
        'inputs_embeds': inputs_embeds,
        'input_ids': input_ids,
        'audio_input_embeddings': audio_input_embeddings,
    }

def reference(inputs_embeds, input_ids, audio_input_embeddings):
    # Faithful translation of scatter_audio_input_embeddings (masked_scatter):
    # rows of inputs_embeds whose token id equals AUDIO_INPUT_TOKEN_ID are
    # overwritten, in order, by rows of audio_input_embeddings.
    audio_mask = input_ids == AUDIO_INPUT_TOKEN_ID  # [T]
    # k-th True position receives audio_input_embeddings[k]
    positions = jnp.cumsum(audio_mask.astype(jnp.int32)) - 1  # [T]
    positions = jnp.clip(positions, 0, audio_input_embeddings.shape[0] - 1)
    gathered = jnp.take(audio_input_embeddings, positions, axis=0)  # [T, D]
    out = jnp.where(audio_mask[:, None], gathered, inputs_embeds)
    return out

if __name__ == "__main__":
    import jax
    _d = setup_inputs()
    print(jax.jit(kernel)(*tuple(_d.values())))

</pallas_src>

<mosaic_0001>
#map = affine_map<(d0, d1) -> (0, 0)>
#map1 = affine_map<(d0, d1) -> (0)>
module attributes {stable_mosaic.version = 14 : i64} {
  func.func @_scatter_body(%arg0: i32, %arg1: i32, %arg2: memref<32768x2048xf32, #tpu.memory_space<hbm>>, %arg3: memref<32768xi32, #tpu.memory_space<hbm>>, %arg4: memref<32768x2048xf32, #tpu.memory_space<hbm>>, %arg5: memref<32768x2048xf32, #tpu.memory_space<hbm>>, %arg6: memref<32768xi32, #tpu.memory_space<vmem>>, %arg7: memref<32x2048xf32, #tpu.memory_space<vmem>>, %arg8: memref<16xi32, #tpu.memory_space<vmem>>, %arg9: memref<16xi32, #tpu.memory_space<vmem>>, %arg10: memref<!tpu.dma_semaphore, #tpu.memory_space<semaphore_mem>>, %arg11: memref<!tpu.dma_semaphore, #tpu.memory_space<semaphore_mem>>, %arg12: memref<!tpu.dma_semaphore, #tpu.memory_space<semaphore_mem>>, %arg13: memref<!tpu.dma_semaphore, #tpu.memory_space<semaphore_mem>>, %arg14: memref<!tpu.dma_semaphore, #tpu.memory_space<semaphore_mem>>, %arg15: memref<!tpu.dma_semaphore, #tpu.memory_space<semaphore_mem>>, %arg16: memref<!tpu.dma_semaphore, #tpu.memory_space<semaphore_mem>>, %arg17: memref<!tpu.dma_semaphore, #tpu.memory_space<semaphore_mem>>) attributes {dimension_semantics = [#tpu.dimension_semantics<core_parallel>, #tpu.dimension_semantics<subcore_parallel>], iteration_bounds = array<i64: 2, 16>, scalar_prefetch = 0 : i64, scratch_operands = 12 : i64, tpu.core_type = #tpu.core_type<sc_vector_subcore>, window_params = [{transform_indices = #map}, {transform_indices = #map1}, {transform_indices = #map}, {transform_indices = #map}]} {
    %mul3A = arith.constant 2 : i32
    %mul3A_0 = arith.muli %arg1, %mul3A : i32
    %add3A = arith.addi %mul3A_0, %arg0 : i32
    %mul3A_1 = arith.constant 1024 : i32
    %mul3A_2 = arith.muli %add3A, %mul3A_1 : i32
    %multiple_of3A = tpu.assume_multiple %mul3A_2, 8 : i32
    "tpu.region"() ({
      %run_scoped3A = tpu.sem_alloc : memref<!tpu.dma_semaphore, #tpu.memory_space<semaphore_mem>>
      tpu.enqueue_dma source(%arg3 : memref<32768xi32, #tpu.memory_space<hbm>>) target(%arg6 : memref<32768xi32, #tpu.memory_space<vmem>>) target_semaphore(%run_scoped3A : memref<!tpu.dma_semaphore, #tpu.memory_space<semaphore_mem>>)
      tpu.wait_dma2 semaphore(%run_scoped3A : memref<!tpu.dma_semaphore, #tpu.memory_space<semaphore_mem>>) src(%arg3 : memref<32768xi32, #tpu.memory_space<hbm>>) dst(%arg6 : memref<32768xi32, #tpu.memory_space<vmem>>)
      tpu.yield
    }) : () -> ()
    %broadcast_in_dim3A = arith.constant 0 : i32
    %broadcast_in_dim3A_3 = vector.broadcast %broadcast_in_dim3A : i32 to vector<16xi32>
    %jit3A = arith.constant 128 : i32
    %div3A = arith.divsi %multiple_of3A, %jit3A : i32
    %sign3A = arith.constant 0 : i32
    %sign3A_4 = arith.cmpi sgt, %multiple_of3A, %sign3A : i32
    %sign3A_5 = arith.extui %sign3A_4 : i1 to i32
    %sign3A_6 = arith.constant 0 : i32
    %sign3A_7 = arith.cmpi slt, %multiple_of3A, %sign3A_6 : i32
    %sign3A_8 = arith.extui %sign3A_7 : i1 to i32
    %sign3A_9 = arith.subi %sign3A_5, %sign3A_8 : i32
    %sign3A_10 = arith.constant 0 : i32
    %sign3A_11 = arith.cmpi sgt, %jit3A, %sign3A_10 : i32
    %sign3A_12 = arith.extui %sign3A_11 : i1 to i32
    %sign3A_13 = arith.constant 0 : i32
    %sign3A_14 = arith.cmpi slt, %jit3A, %sign3A_13 : i32
    %sign3A_15 = arith.extui %sign3A_14 : i1 to i32
    %sign3A_16 = arith.subi %sign3A_12, %sign3A_15 : i32
    %ne3A = arith.cmpi ne, %sign3A_9, %sign3A_16 : i32
    %rem3A = arith.remsi %multiple_of3A, %jit3A : i32
    %ne3A_17 = arith.constant 0 : i32
    %ne3A_18 = arith.cmpi ne, %rem3A, %ne3A_17 : i32
    %and3A = arith.andi %ne3A, %ne3A_18 : i1
    %sub3A = arith.constant 1 : i32
    %sub3A_19 = arith.subi %div3A, %sub3A : i32
    %select_n3A = arith.select %and3A, %sub3A_19, %div3A : i32
    %while3A = arith.constant 0 : i32
    %while3A_20 = arith.subi %select_n3A, %while3A : i32
    %while3A_21 = arith.addi %while3A, %while3A_20 : i32
    %while3A_22 = arith.constant 1 : i32
    %while3A_23 = arith.divsi %while3A_20, %while3A_22 : i32
    %while3A_24 = arith.muli %while3A_23, %while3A_22 : i32
    %while3A_25 = arith.addi %while3A, %while3A_24 : i32
    %while3A_26 = arith.constant 1 : i32
    %while3A_27 = scf.for %while3A_73 = %while3A to %while3A_25 step %while3A_26 iter_args(%while3A_74 = %broadcast_in_dim3A_3) -> (vector<16xi32>)  : i32 {
      %mul3A_75 = arith.constant 128 : i32
      %mul3A_76 = arith.muli %while3A_73, %mul3A_75 : i32
      %add3A_77 = arith.constant 0 : i32
      %add3A_78 = arith.addi %mul3A_76, %add3A_77 : i32
      %get3A = arith.index_cast %add3A_78 : i32 to index
      %get3A_79 = tpu.vector_load %arg6[%get3A] {strides = array<i32>} : memref<32768xi32, #tpu.memory_space<vmem>>, vector<16xi32>,
      %eq3A_80 = arith.constant 0 : i32
      %eq3A_81 = vector.broadcast %eq3A_80 : i32 to vector<16xi32>
      %eq3A_82 = arith.cmpi eq, %get3A_79, %eq3A_81 : vector<16xi32>
      %jit3A_83 = arith.constant 1 : i32
      %jit3A_84 = arith.constant 0 : i32
      %broadcast_in_dim3A_85 = vector.broadcast %jit3A_83 : i32 to vector<16xi32>
      %broadcast_in_dim3A_86 = vector.broadcast %jit3A_84 : i32 to vector<16xi32>
      %select_n3A_87 = arith.select %eq3A_82, %broadcast_in_dim3A_85, %broadcast_in_dim3A_86 : vector<16xi1>, vector<16xi32>
      %add3A_88 = arith.addi %while3A_74, %select_n3A_87 : vector<16xi32>
      %mul3A_89 = arith.constant 128 : i32
      %mul3A_90 = arith.muli %while3A_73, %mul3A_89 : i32
      %add3A_91 = arith.constant 16 : i32
      %add3A_92 = arith.addi %mul3A_90, %add3A_91 : i32
      %get3A_93 = arith.index_cast %add3A_92 : i32 to index
      %get3A_94 = tpu.vector_load %arg6[%get3A_93] {strides = array<i32>} : memref<32768xi32, #tpu.memory_space<vmem>>, vector<16xi32>,
      %eq3A_95 = arith.constant 0 : i32
      %eq3A_96 = vector.broadcast %eq3A_95 : i32 to vector<16xi32>
      %eq3A_97 = arith.cmpi eq, %get3A_94, %eq3A_96 : vector<16xi32>
      %jit3A_98 = arith.constant 1 : i32
      %jit3A_99 = arith.constant 0 : i32
      %broadcast_in_dim3A_100 = vector.broadcast %jit3A_98 : i32 to vector<16xi32>
      %broadcast_in_dim3A_101 = vector.broadcast %jit3A_99 : i32 to vector<16xi32>
      %select_n3A_102 = arith.select %eq3A_97, %broadcast_in_dim3A_100, %broadcast_in_dim3A_101 : vector<16xi1>, vector<16xi32>
      %add3A_103 = arith.addi %add3A_88, %select_n3A_102 : vector<16xi32>
      %mul3A_104 = arith.constant 128 : i32
      %mul3A_105 = arith.muli %while3A_73, %mul3A_104 : i32
      %add3A_106 = arith.constant 32 : i32
      %add3A_107 = arith.addi %mul3A_105, %add3A_106 : i32
      %get3A_108 = arith.index_cast %add3A_107 : i32 to index
      %get3A_109 = tpu.vector_load %arg6[%get3A_108] {strides = array<i32>} : memref<32768xi32, #tpu.memory_space<vmem>>, vector<16xi32>,
      %eq3A_110 = arith.constant 0 : i32
      %eq3A_111 = vector.broadcast %eq3A_110 : i32 to vector<16xi32>
      %eq3A_112 = arith.cmpi eq, %get3A_109, %eq3A_111 : vector<16xi32>
      %jit3A_113 = arith.constant 1 : i32
      %jit3A_114 = arith.constant 0 : i32
      %broadcast_in_dim3A_115 = vector.broadcast %jit3A_113 : i32 to vector<16xi32>
      %broadcast_in_dim3A_116 = vector.broadcast %jit3A_114 : i32 to vector<16xi32>
      %select_n3A_117 = arith.select %eq3A_112, %broadcast_in_dim3A_115, %broadcast_in_dim3A_116 : vector<16xi1>, vector<16xi32>
      %add3A_118 = arith.addi %add3A_103, %select_n3A_117 : vector<16xi32>
      %mul3A_119 = arith.constant 128 : i32
      %mul3A_120 = arith.muli %while3A_73, %mul3A_119 : i32
      %add3A_121 = arith.constant 48 : i32
      %add3A_122 = arith.addi %mul3A_120, %add3A_121 : i32
      %get3A_123 = arith.index_cast %add3A_122 : i32 to index
      %get3A_124 = tpu.vector_load %arg6[%get3A_123] {strides = array<i32>} : memref<32768xi32, #tpu.memory_space<vmem>>, vector<16xi32>,
      %eq3A_125 = arith.constant 0 : i32
      %eq3A_126 = vector.broadcast %eq3A_125 : i32 to vector<16xi32>
      %eq3A_127 = arith.cmpi eq, %get3A_124, %eq3A_126 : vector<16xi32>
      %jit3A_128 = arith.constant 1 : i32
      %jit3A_129 = arith.constant 0 : i32
      %broadcast_in_dim3A_130 = vector.broadcast %jit3A_128 : i32 to vector<16xi32>
      %broadcast_in_dim3A_131 = vector.broadcast %jit3A_129 : i32 to vector<16xi32>
      %select_n3A_132 = arith.select %eq3A_127, %broadcast_in_dim3A_130, %broadcast_in_dim3A_131 : vector<16xi1>, vector<16xi32>
      %add3A_133 = arith.addi %add3A_118, %select_n3A_132 : vector<16xi32>
      %mul3A_134 = arith.constant 128 : i32
      %mul3A_135 = arith.muli %while3A_73, %mul3A_134 : i32
      %add3A_136 = arith.constant 64 : i32
      %add3A_137 = arith.addi %mul3A_135, %add3A_136 : i32
      %get3A_138 = arith.index_cast %add3A_137 : i32 to index
      %get3A_139 = tpu.vector_load %arg6[%get3A_138] {strides = array<i32>} : memref<32768xi32, #tpu.memory_space<vmem>>, vector<16xi32>,
      %eq3A_140 = arith.constant 0 : i32
      %eq3A_141 = vector.broadcast %eq3A_140 : i32 to vector<16xi32>
      %eq3A_142 = arith.cmpi eq, %get3A_139, %eq3A_141 : vector<16xi32>
      %jit3A_143 = arith.constant 1 : i32
      %jit3A_144 = arith.constant 0 : i32
      %broadcast_in_dim3A_145 = vector.broadcast %jit3A_143 : i32 to vector<16xi32>
      %broadcast_in_dim3A_146 = vector.broadcast %jit3A_144 : i32 to vector<16xi32>
      %select_n3A_147 = arith.select %eq3A_142, %broadcast_in_dim3A_145, %broadcast_in_dim3A_146 : vector<16xi1>, vector<16xi32>
      %add3A_148 = arith.addi %add3A_133, %select_n3A_147 : vector<16xi32>
      %mul3A_149 = arith.constant 128 : i32
      %mul3A_150 = arith.muli %while3A_73, %mul3A_149 : i32
      %add3A_151 = arith.constant 80 : i32
      %add3A_152 = arith.addi %mul3A_150, %add3A_151 : i32
      %get3A_153 = arith.index_cast %add3A_152 : i32 to index
      %get3A_154 = tpu.vector_load %arg6[%get3A_153] {strides = array<i32>} : memref<32768xi32, #tpu.memory_space<vmem>>, vector<16xi32>,
      %eq3A_155 = arith.constant 0 : i32
      %eq3A_156 = vector.broadcast %eq3A_155 : i32 to vector<16xi32>
      %eq3A_157 = arith.cmpi eq, %get3A_154, %eq3A_156 : vector<16xi32>
      %jit3A_158 = arith.constant 1 : i32
      %jit3A_159 = arith.constant 0 : i32
      %broadcast_in_dim3A_160 = vector.broadcast %jit3A_158 : i32 to vector<16xi32>
      %broadcast_in_dim3A_161 = vector.broadcast %jit3A_159 : i32 to vector<16xi32>
      %select_n3A_162 = arith.select %eq3A_157, %broadcast_in_dim3A_160, %broadcast_in_dim3A_161 : vector<16xi1>, vector<16xi32>
      %add3A_163 = arith.addi %add3A_148, %select_n3A_162 : vector<16xi32>
      %mul3A_164 = arith.constant 128 : i32
      %mul3A_165 = arith.muli %while3A_73, %mul3A_164 : i32
      %add3A_166 = arith.constant 96 : i32
      %add3A_167 = arith.addi %mul3A_165, %add3A_166 : i32
      %get3A_168 = arith.index_cast %add3A_167 : i32 to index
      %get3A_169 = tpu.vector_load %arg6[%get3A_168] {strides = array<i32>} : memref<32768xi32, #tpu.memory_space<vmem>>, vector<16xi32>,
      %eq3A_170 = arith.constant 0 : i32
      %eq3A_171 = vector.broadcast %eq3A_170 : i32 to vector<16xi32>
      %eq3A_172 = arith.cmpi eq, %get3A_169, %eq3A_171 : vector<16xi32>
      %jit3A_173 = arith.constant 1 : i32
      %jit3A_174 = arith.constant 0 : i32
      %broadcast_in_dim3A_175 = vector.broadcast %jit3A_173 : i32 to vector<16xi32>
      %broadcast_in_dim3A_176 = vector.broadcast %jit3A_174 : i32 to vector<16xi32>
      %select_n3A_177 = arith.select %eq3A_172, %broadcast_in_dim3A_175, %broadcast_in_dim3A_176 : vector<16xi1>, vector<16xi32>
      %add3A_178 = arith.addi %add3A_163, %select_n3A_177 : vector<16xi32>
      %mul3A_179 = arith.constant 128 : i32
      %mul3A_180 = arith.muli %while3A_73, %mul3A_179 : i32
      %add3A_181 = arith.constant 112 : i32
      %add3A_182 = arith.addi %mul3A_180, %add3A_181 : i32
      %get3A_183 = arith.index_cast %add3A_182 : i32 to index
      %get3A_184 = tpu.vector_load %arg6[%get3A_183] {strides = array<i32>} : memref<32768xi32, #tpu.memory_space<vmem>>, vector<16xi32>,
      %eq3A_185 = arith.constant 0 : i32
      %eq3A_186 = vector.broadcast %eq3A_185 : i32 to vector<16xi32>
      %eq3A_187 = arith.cmpi eq, %get3A_184, %eq3A_186 : vector<16xi32>
      %jit3A_188 = arith.constant 1 : i32
      %jit3A_189 = arith.constant 0 : i32
      %broadcast_in_dim3A_190 = vector.broadcast %jit3A_188 : i32 to vector<16xi32>
      %broadcast_in_dim3A_191 = vector.broadcast %jit3A_189 : i32 to vector<16xi32>
      %select_n3A_192 = arith.select %eq3A_187, %broadcast_in_dim3A_190, %broadcast_in_dim3A_191 : vector<16xi1>, vector<16xi32>
      %add3A_193 = arith.addi %add3A_178, %select_n3A_192 : vector<16xi32>
      scf.yield %add3A_193 : vector<16xi32>
    }
    %while3A_28 = arith.constant 1 : i32
    %while3A_29 = scf.for %while3A_73 = %while3A_25 to %while3A_21 step %while3A_28 iter_args(%while3A_74 = %while3A_27) -> (vector<16xi32>)  : i32 {
      %mul3A_75 = arith.constant 128 : i32
      %mul3A_76 = arith.muli %while3A_73, %mul3A_75 : i32
      %add3A_77 = arith.constant 0 : i32
      %add3A_78 = arith.addi %mul3A_76, %add3A_77 : i32
      %get3A = arith.index_cast %add3A_78 : i32 to index
      %get3A_79 = tpu.vector_load %arg6[%get3A] {strides = array<i32>} : memref<32768xi32, #tpu.memory_space<vmem>>, vector<16xi32>,
      %eq3A_80 = arith.constant 0 : i32
      %eq3A_81 = vector.broadcast %eq3A_80 : i32 to vector<16xi32>
      %eq3A_82 = arith.cmpi eq, %get3A_79, %eq3A_81 : vector<16xi32>
      %jit3A_83 = arith.constant 1 : i32
      %jit3A_84 = arith.constant 0 : i32
      %broadcast_in_dim3A_85 = vector.broadcast %jit3A_83 : i32 to vector<16xi32>
      %broadcast_in_dim3A_86 = vector.broadcast %jit3A_84 : i32 to vector<16xi32>
      %select_n3A_87 = arith.select %eq3A_82, %broadcast_in_dim3A_85, %broadcast_in_dim3A_86 : vector<16xi1>, vector<16xi32>
      %add3A_88 = arith.addi %while3A_74, %select_n3A_87 : vector<16xi32>
      %mul3A_89 = arith.constant 128 : i32
      %mul3A_90 = arith.muli %while3A_73, %mul3A_89 : i32
      %add3A_91 = arith.constant 16 : i32
      %add3A_92 = arith.addi %mul3A_90, %add3A_91 : i32
      %get3A_93 = arith.index_cast %add3A_92 : i32 to index
      %get3A_94 = tpu.vector_load %arg6[%get3A_93] {strides = array<i32>} : memref<32768xi32, #tpu.memory_space<vmem>>, vector<16xi32>,
      %eq3A_95 = arith.constant 0 : i32
      %eq3A_96 = vector.broadcast %eq3A_95 : i32 to vector<16xi32>
      %eq3A_97 = arith.cmpi eq, %get3A_94, %eq3A_96 : vector<16xi32>
      %jit3A_98 = arith.constant 1 : i32
      %jit3A_99 = arith.constant 0 : i32
      %broadcast_in_dim3A_100 = vector.broadcast %jit3A_98 : i32 to vector<16xi32>
      %broadcast_in_dim3A_101 = vector.broadcast %jit3A_99 : i32 to vector<16xi32>
      %select_n3A_102 = arith.select %eq3A_97, %broadcast_in_dim3A_100, %broadcast_in_dim3A_101 : vector<16xi1>, vector<16xi32>
      %add3A_103 = arith.addi %add3A_88, %select_n3A_102 : vector<16xi32>
      %mul3A_104 = arith.constant 128 : i32
      %mul3A_105 = arith.muli %while3A_73, %mul3A_104 : i32
      %add3A_106 = arith.constant 32 : i32
      %add3A_107 = arith.addi %mul3A_105, %add3A_106 : i32
      %get3A_108 = arith.index_cast %add3A_107 : i32 to index
      %get3A_109 = tpu.vector_load %arg6[%get3A_108] {strides = array<i32>} : memref<32768xi32, #tpu.memory_space<vmem>>, vector<16xi32>,
      %eq3A_110 = arith.constant 0 : i32
      %eq3A_111 = vector.broadcast %eq3A_110 : i32 to vector<16xi32>
      %eq3A_112 = arith.cmpi eq, %get3A_109, %eq3A_111 : vector<16xi32>
      %jit3A_113 = arith.constant 1 : i32
      %jit3A_114 = arith.constant 0 : i32
      %broadcast_in_dim3A_115 = vector.broadcast %jit3A_113 : i32 to vector<16xi32>
      %broadcast_in_dim3A_116 = vector.broadcast %jit3A_114 : i32 to vector<16xi32>
      %select_n3A_117 = arith.select %eq3A_112, %broadcast_in_dim3A_115, %broadcast_in_dim3A_116 : vector<16xi1>, vector<16xi32>
      %add3A_118 = arith.addi %add3A_103, %select_n3A_117 : vector<16xi32>
      %mul3A_119 = arith.constant 128 : i32
      %mul3A_120 = arith.muli %while3A_73, %mul3A_119 : i32
      %add3A_121 = arith.constant 48 : i32
      %add3A_122 = arith.addi %mul3A_120, %add3A_121 : i32
      %get3A_123 = arith.index_cast %add3A_122 : i32 to index
      %get3A_124 = tpu.vector_load %arg6[%get3A_123] {strides = array<i32>} : memref<32768xi32, #tpu.memory_space<vmem>>, vector<16xi32>,
      %eq3A_125 = arith.constant 0 : i32
      %eq3A_126 = vector.broadcast %eq3A_125 : i32 to vector<16xi32>
      %eq3A_127 = arith.cmpi eq, %get3A_124, %eq3A_126 : vector<16xi32>
      %jit3A_128 = arith.constant 1 : i32
      %jit3A_129 = arith.constant 0 : i32
      %broadcast_in_dim3A_130 = vector.broadcast %jit3A_128 : i32 to vector<16xi32>
      %broadcast_in_dim3A_131 = vector.broadcast %jit3A_129 : i32 to vector<16xi32>
      %select_n3A_132 = arith.select %eq3A_127, %broadcast_in_dim3A_130, %broadcast_in_dim3A_131 : vector<16xi1>, vector<16xi32>
      %add3A_133 = arith.addi %add3A_118, %select_n3A_132 : vector<16xi32>
      %mul3A_134 = arith.constant 128 : i32
      %mul3A_135 = arith.muli %while3A_73, %mul3A_134 : i32
      %add3A_136 = arith.constant 64 : i32
      %add3A_137 = arith.addi %mul3A_135, %add3A_136 : i32
      %get3A_138 = arith.index_cast %add3A_137 : i32 to index
      %get3A_139 = tpu.vector_load %arg6[%get3A_138] {strides = array<i32>} : memref<32768xi32, #tpu.memory_space<vmem>>, vector<16xi32>,
      %eq3A_140 = arith.constant 0 : i32
      %eq3A_141 = vector.broadcast %eq3A_140 : i32 to vector<16xi32>
      %eq3A_142 = arith.cmpi eq, %get3A_139, %eq3A_141 : vector<16xi32>
      %jit3A_143 = arith.constant 1 : i32
      %jit3A_144 = arith.constant 0 : i32
      %broadcast_in_dim3A_145 = vector.broadcast %jit3A_143 : i32 to vector<16xi32>
      %broadcast_in_dim3A_146 = vector.broadcast %jit3A_144 : i32 to vector<16xi32>
      %select_n3A_147 = arith.select %eq3A_142, %broadcast_in_dim3A_145, %broadcast_in_dim3A_146 : vector<16xi1>, vector<16xi32>
      %add3A_148 = arith.addi %add3A_133, %select_n3A_147 : vector<16xi32>
      %mul3A_149 = arith.constant 128 : i32
      %mul3A_150 = arith.muli %while3A_73, %mul3A_149 : i32
      %add3A_151 = arith.constant 80 : i32
      %add3A_152 = arith.addi %mul3A_150, %add3A_151 : i32
      %get3A_153 = arith.index_cast %add3A_152 : i32 to index
      %get3A_154 = tpu.vector_load %arg6[%get3A_153] {strides = array<i32>} : memref<32768xi32, #tpu.memory_space<vmem>>, vector<16xi32>,
      %eq3A_155 = arith.constant 0 : i32
      %eq3A_156 = vector.broadcast %eq3A_155 : i32 to vector<16xi32>
      %eq3A_157 = arith.cmpi eq, %get3A_154, %eq3A_156 : vector<16xi32>
      %jit3A_158 = arith.constant 1 : i32
      %jit3A_159 = arith.constant 0 : i32
      %broadcast_in_dim3A_160 = vector.broadcast %jit3A_158 : i32 to vector<16xi32>
      %broadcast_in_dim3A_161 = vector.broadcast %jit3A_159 : i32 to vector<16xi32>
      %select_n3A_162 = arith.select %eq3A_157, %broadcast_in_dim3A_160, %broadcast_in_dim3A_161 : vector<16xi1>, vector<16xi32>
      %add3A_163 = arith.addi %add3A_148, %select_n3A_162 : vector<16xi32>
      %mul3A_164 = arith.constant 128 : i32
      %mul3A_165 = arith.muli %while3A_73, %mul3A_164 : i32
      %add3A_166 = arith.constant 96 : i32
      %add3A_167 = arith.addi %mul3A_165, %add3A_166 : i32
      %get3A_168 = arith.index_cast %add3A_167 : i32 to index
      %get3A_169 = tpu.vector_load %arg6[%get3A_168] {strides = array<i32>} : memref<32768xi32, #tpu.memory_space<vmem>>, vector<16xi32>,
      %eq3A_170 = arith.constant 0 : i32
      %eq3A_171 = vector.broadcast %eq3A_170 : i32 to vector<16xi32>
      %eq3A_172 = arith.cmpi eq, %get3A_169, %eq3A_171 : vector<16xi32>
      %jit3A_173 = arith.constant 1 : i32
      %jit3A_174 = arith.constant 0 : i32
      %broadcast_in_dim3A_175 = vector.broadcast %jit3A_173 : i32 to vector<16xi32>
      %broadcast_in_dim3A_176 = vector.broadcast %jit3A_174 : i32 to vector<16xi32>
      %select_n3A_177 = arith.select %eq3A_172, %broadcast_in_dim3A_175, %broadcast_in_dim3A_176 : vector<16xi1>, vector<16xi32>
      %add3A_178 = arith.addi %add3A_163, %select_n3A_177 : vector<16xi32>
      %mul3A_179 = arith.constant 128 : i32
      %mul3A_180 = arith.muli %while3A_73, %mul3A_179 : i32
      %add3A_181 = arith.constant 112 : i32
      %add3A_182 = arith.addi %mul3A_180, %add3A_181 : i32
      %get3A_183 = arith.index_cast %add3A_182 : i32 to index
      %get3A_184 = tpu.vector_load %arg6[%get3A_183] {strides = array<i32>} : memref<32768xi32, #tpu.memory_space<vmem>>, vector<16xi32>,
      %eq3A_185 = arith.constant 0 : i32
      %eq3A_186 = vector.broadcast %eq3A_185 : i32 to vector<16xi32>
      %eq3A_187 = arith.cmpi eq, %get3A_184, %eq3A_186 : vector<16xi32>
      %jit3A_188 = arith.constant 1 : i32
      %jit3A_189 = arith.constant 0 : i32
      %broadcast_in_dim3A_190 = vector.broadcast %jit3A_188 : i32 to vector<16xi32>
      %broadcast_in_dim3A_191 = vector.broadcast %jit3A_189 : i32 to vector<16xi32>
      %select_n3A_192 = arith.select %eq3A_187, %broadcast_in_dim3A_190, %broadcast_in_dim3A_191 : vector<16xi1>, vector<16xi32>
      %add3A_193 = arith.addi %add3A_178, %select_n3A_192 : vector<16xi32>
      scf.yield %add3A_193 : vector<16xi32>
    }
    %add3A_30 = arith.constant 8 : i32
    %add3A_31 = arith.addi %select_n3A, %add3A_30 : i32
    %while3A_32 = arith.subi %add3A_31, %select_n3A : i32
    %while3A_33 = arith.addi %select_n3A, %while3A_32 : i32
    %while3A_34 = arith.constant 1 : i32
    %while3A_35 = arith.divsi %while3A_32, %while3A_34 : i32
    %while3A_36 = arith.muli %while3A_35, %while3A_34 : i32
    %while3A_37 = arith.addi %select_n3A, %while3A_36 : i32
    %while3A_38 = arith.constant 1 : i32
    %while3A_39 = scf.for %while3A_73 = %select_n3A to %while3A_37 step %while3A_38 iter_args(%while3A_74 = %broadcast_in_dim3A_3) -> (vector<16xi32>)  : i32 {
      %mul3A_75 = arith.constant 128 : i32
      %mul3A_76 = arith.muli %while3A_73, %mul3A_75 : i32
      %add3A_77 = arith.constant 0 : i32
      %add3A_78 = arith.addi %mul3A_76, %add3A_77 : i32
      %get3A = arith.index_cast %add3A_78 : i32 to index
      %get3A_79 = tpu.vector_load %arg6[%get3A] {strides = array<i32>} : memref<32768xi32, #tpu.memory_space<vmem>>, vector<16xi32>,
      %eq3A_80 = arith.constant 0 : i32
      %eq3A_81 = vector.broadcast %eq3A_80 : i32 to vector<16xi32>
      %eq3A_82 = arith.cmpi eq, %get3A_79, %eq3A_81 : vector<16xi32>
      %jit3A_83 = arith.constant 1 : i32
      %jit3A_84 = arith.constant 0 : i32
      %broadcast_in_dim3A_85 = vector.broadcast %jit3A_83 : i32 to vector<16xi32>
      %broadcast_in_dim3A_86 = vector.broadcast %jit3A_84 : i32 to vector<16xi32>
      %select_n3A_87 = arith.select %eq3A_82, %broadcast_in_dim3A_85, %broadcast_in_dim3A_86 : vector<16xi1>, vector<16xi32>
      %add3A_88 = arith.addi %while3A_74, %select_n3A_87 : vector<16xi32>
      %mul3A_89 = arith.constant 128 : i32
      %mul3A_90 = arith.muli %while3A_73, %mul3A_89 : i32
      %add3A_91 = arith.constant 16 : i32
      %add3A_92 = arith.addi %mul3A_90, %add3A_91 : i32
      %get3A_93 = arith.index_cast %add3A_92 : i32 to index
      %get3A_94 = tpu.vector_load %arg6[%get3A_93] {strides = array<i32>} : memref<32768xi32, #tpu.memory_space<vmem>>, vector<16xi32>,
      %eq3A_95 = arith.constant 0 : i32
      %eq3A_96 = vector.broadcast %eq3A_95 : i32 to vector<16xi32>
      %eq3A_97 = arith.cmpi eq, %get3A_94, %eq3A_96 : vector<16xi32>
      %jit3A_98 = arith.constant 1 : i32
      %jit3A_99 = arith.constant 0 : i32
      %broadcast_in_dim3A_100 = vector.broadcast %jit3A_98 : i32 to vector<16xi32>
      %broadcast_in_dim3A_101 = vector.broadcast %jit3A_99 : i32 to vector<16xi32>
      %select_n3A_102 = arith.select %eq3A_97, %broadcast_in_dim3A_100, %broadcast_in_dim3A_101 : vector<16xi1>, vector<16xi32>
      %add3A_103 = arith.addi %add3A_88, %select_n3A_102 : vector<16xi32>
      %mul3A_104 = arith.constant 128 : i32
      %mul3A_105 = arith.muli %while3A_73, %mul3A_104 : i32
      %add3A_106 = arith.constant 32 : i32
      %add3A_107 = arith.addi %mul3A_105, %add3A_106 : i32
      %get3A_108 = arith.index_cast %add3A_107 : i32 to index
      %get3A_109 = tpu.vector_load %arg6[%get3A_108] {strides = array<i32>} : memref<32768xi32, #tpu.memory_space<vmem>>, vector<16xi32>,
      %eq3A_110 = arith.constant 0 : i32
      %eq3A_111 = vector.broadcast %eq3A_110 : i32 to vector<16xi32>
      %eq3A_112 = arith.cmpi eq, %get3A_109, %eq3A_111 : vector<16xi32>
      %jit3A_113 = arith.constant 1 : i32
      %jit3A_114 = arith.constant 0 : i32
      %broadcast_in_dim3A_115 = vector.broadcast %jit3A_113 : i32 to vector<16xi32>
      %broadcast_in_dim3A_116 = vector.broadcast %jit3A_114 : i32 to vector<16xi32>
      %select_n3A_117 = arith.select %eq3A_112, %broadcast_in_dim3A_115, %broadcast_in_dim3A_116 : vector<16xi1>, vector<16xi32>
      %add3A_118 = arith.addi %add3A_103, %select_n3A_117 : vector<16xi32>
      %mul3A_119 = arith.constant 128 : i32
      %mul3A_120 = arith.muli %while3A_73, %mul3A_119 : i32
      %add3A_121 = arith.constant 48 : i32
      %add3A_122 = arith.addi %mul3A_120, %add3A_121 : i32
      %get3A_123 = arith.index_cast %add3A_122 : i32 to index
      %get3A_124 = tpu.vector_load %arg6[%get3A_123] {strides = array<i32>} : memref<32768xi32, #tpu.memory_space<vmem>>, vector<16xi32>,
      %eq3A_125 = arith.constant 0 : i32
      %eq3A_126 = vector.broadcast %eq3A_125 : i32 to vector<16xi32>
      %eq3A_127 = arith.cmpi eq, %get3A_124, %eq3A_126 : vector<16xi32>
      %jit3A_128 = arith.constant 1 : i32
      %jit3A_129 = arith.constant 0 : i32
      %broadcast_in_dim3A_130 = vector.broadcast %jit3A_128 : i32 to vector<16xi32>
      %broadcast_in_dim3A_131 = vector.broadcast %jit3A_129 : i32 to vector<16xi32>
      %select_n3A_132 = arith.select %eq3A_127, %broadcast_in_dim3A_130, %broadcast_in_dim3A_131 : vector<16xi1>, vector<16xi32>
      %add3A_133 = arith.addi %add3A_118, %select_n3A_132 : vector<16xi32>
      %mul3A_134 = arith.constant 128 : i32
      %mul3A_135 = arith.muli %while3A_73, %mul3A_134 : i32
      %add3A_136 = arith.constant 64 : i32
      %add3A_137 = arith.addi %mul3A_135, %add3A_136 : i32
      %get3A_138 = arith.index_cast %add3A_137 : i32 to index
      %get3A_139 = tpu.vector_load %arg6[%get3A_138] {strides = array<i32>} : memref<32768xi32, #tpu.memory_space<vmem>>, vector<16xi32>,
      %eq3A_140 = arith.constant 0 : i32
      %eq3A_141 = vector.broadcast %eq3A_140 : i32 to vector<16xi32>
      %eq3A_142 = arith.cmpi eq, %get3A_139, %eq3A_141 : vector<16xi32>
      %jit3A_143 = arith.constant 1 : i32
      %jit3A_144 = arith.constant 0 : i32
      %broadcast_in_dim3A_145 = vector.broadcast %jit3A_143 : i32 to vector<16xi32>
      %broadcast_in_dim3A_146 = vector.broadcast %jit3A_144 : i32 to vector<16xi32>
      %select_n3A_147 = arith.select %eq3A_142, %broadcast_in_dim3A_145, %broadcast_in_dim3A_146 : vector<16xi1>, vector<16xi32>
      %add3A_148 = arith.addi %add3A_133, %select_n3A_147 : vector<16xi32>
      %mul3A_149 = arith.constant 128 : i32
      %mul3A_150 = arith.muli %while3A_73, %mul3A_149 : i32
      %add3A_151 = arith.constant 80 : i32
      %add3A_152 = arith.addi %mul3A_150, %add3A_151 : i32
      %get3A_153 = arith.index_cast %add3A_152 : i32 to index
      %get3A_154 = tpu.vector_load %arg6[%get3A_153] {strides = array<i32>} : memref<32768xi32, #tpu.memory_space<vmem>>, vector<16xi32>,
      %eq3A_155 = arith.constant 0 : i32
      %eq3A_156 = vector.broadcast %eq3A_155 : i32 to vector<16xi32>
      %eq3A_157 = arith.cmpi eq, %get3A_154, %eq3A_156 : vector<16xi32>
      %jit3A_158 = arith.constant 1 : i32
      %jit3A_159 = arith.constant 0 : i32
      %broadcast_in_dim3A_160 = vector.broadcast %jit3A_158 : i32 to vector<16xi32>
      %broadcast_in_dim3A_161 = vector.broadcast %jit3A_159 : i32 to vector<16xi32>
      %select_n3A_162 = arith.select %eq3A_157, %broadcast_in_dim3A_160, %broadcast_in_dim3A_161 : vector<16xi1>, vector<16xi32>
      %add3A_163 = arith.addi %add3A_148, %select_n3A_162 : vector<16xi32>
      %mul3A_164 = arith.constant 128 : i32
      %mul3A_165 = arith.muli %while3A_73, %mul3A_164 : i32
      %add3A_166 = arith.constant 96 : i32
      %add3A_167 = arith.addi %mul3A_165, %add3A_166 : i32
      %get3A_168 = arith.index_cast %add3A_167 : i32 to index
      %get3A_169 = tpu.vector_load %arg6[%get3A_168] {strides = array<i32>} : memref<32768xi32, #tpu.memory_space<vmem>>, vector<16xi32>,
      %eq3A_170 = arith.constant 0 : i32
      %eq3A_171 = vector.broadcast %eq3A_170 : i32 to vector<16xi32>
      %eq3A_172 = arith.cmpi eq, %get3A_169, %eq3A_171 : vector<16xi32>
      %jit3A_173 = arith.constant 1 : i32
      %jit3A_174 = arith.constant 0 : i32
      %broadcast_in_dim3A_175 = vector.broadcast %jit3A_173 : i32 to vector<16xi32>
      %broadcast_in_dim3A_176 = vector.broadcast %jit3A_174 : i32 to vector<16xi32>
      %select_n3A_177 = arith.select %eq3A_172, %broadcast_in_dim3A_175, %broadcast_in_dim3A_176 : vector<16xi1>, vector<16xi32>
      %add3A_178 = arith.addi %add3A_163, %select_n3A_177 : vector<16xi32>
      %mul3A_179 = arith.constant 128 : i32
      %mul3A_180 = arith.muli %while3A_73, %mul3A_179 : i32
      %add3A_181 = arith.constant 112 : i32
      %add3A_182 = arith.addi %mul3A_180, %add3A_181 : i32
      %get3A_183 = arith.index_cast %add3A_182 : i32 to index
      %get3A_184 = tpu.vector_load %arg6[%get3A_183] {strides = array<i32>} : memref<32768xi32, #tpu.memory_space<vmem>>, vector<16xi32>,
      %eq3A_185 = arith.constant 0 : i32
      %eq3A_186 = vector.broadcast %eq3A_185 : i32 to vector<16xi32>
      %eq3A_187 = arith.cmpi eq, %get3A_184, %eq3A_186 : vector<16xi32>
      %jit3A_188 = arith.constant 1 : i32
      %jit3A_189 = arith.constant 0 : i32
      %broadcast_in_dim3A_190 = vector.broadcast %jit3A_188 : i32 to vector<16xi32>
      %broadcast_in_dim3A_191 = vector.broadcast %jit3A_189 : i32 to vector<16xi32>
      %select_n3A_192 = arith.select %eq3A_187, %broadcast_in_dim3A_190, %broadcast_in_dim3A_191 : vector<16xi1>, vector<16xi32>
      %add3A_193 = arith.addi %add3A_178, %select_n3A_192 : vector<16xi32>
      scf.yield %add3A_193 : vector<16xi32>
    }
    %while3A_40 = arith.constant 1 : i32
    %while3A_41 = scf.for %while3A_73 = %while3A_37 to %while3A_33 step %while3A_40 iter_args(%while3A_74 = %while3A_39) -> (vector<16xi32>)  : i32 {
      %mul3A_75 = arith.constant 128 : i32
      %mul3A_76 = arith.muli %while3A_73, %mul3A_75 : i32
      %add3A_77 = arith.constant 0 : i32
      %add3A_78 = arith.addi %mul3A_76, %add3A_77 : i32
      %get3A = arith.index_cast %add3A_78 : i32 to index
      %get3A_79 = tpu.vector_load %arg6[%get3A] {strides = array<i32>} : memref<32768xi32, #tpu.memory_space<vmem>>, vector<16xi32>,
      %eq3A_80 = arith.constant 0 : i32
      %eq3A_81 = vector.broadcast %eq3A_80 : i32 to vector<16xi32>
      %eq3A_82 = arith.cmpi eq, %get3A_79, %eq3A_81 : vector<16xi32>
      %jit3A_83 = arith.constant 1 : i32
      %jit3A_84 = arith.constant 0 : i32
      %broadcast_in_dim3A_85 = vector.broadcast %jit3A_83 : i32 to vector<16xi32>
      %broadcast_in_dim3A_86 = vector.broadcast %jit3A_84 : i32 to vector<16xi32>
      %select_n3A_87 = arith.select %eq3A_82, %broadcast_in_dim3A_85, %broadcast_in_dim3A_86 : vector<16xi1>, vector<16xi32>
      %add3A_88 = arith.addi %while3A_74, %select_n3A_87 : vector<16xi32>
      %mul3A_89 = arith.constant 128 : i32
      %mul3A_90 = arith.muli %while3A_73, %mul3A_89 : i32
      %add3A_91 = arith.constant 16 : i32
      %add3A_92 = arith.addi %mul3A_90, %add3A_91 : i32
      %get3A_93 = arith.index_cast %add3A_92 : i32 to index
      %get3A_94 = tpu.vector_load %arg6[%get3A_93] {strides = array<i32>} : memref<32768xi32, #tpu.memory_space<vmem>>, vector<16xi32>,
      %eq3A_95 = arith.constant 0 : i32
      %eq3A_96 = vector.broadcast %eq3A_95 : i32 to vector<16xi32>
      %eq3A_97 = arith.cmpi eq, %get3A_94, %eq3A_96 : vector<16xi32>
      %jit3A_98 = arith.constant 1 : i32
      %jit3A_99 = arith.constant 0 : i32
      %broadcast_in_dim3A_100 = vector.broadcast %jit3A_98 : i32 to vector<16xi32>
      %broadcast_in_dim3A_101 = vector.broadcast %jit3A_99 : i32 to vector<16xi32>
      %select_n3A_102 = arith.select %eq3A_97, %broadcast_in_dim3A_100, %broadcast_in_dim3A_101 : vector<16xi1>, vector<16xi32>
      %add3A_103 = arith.addi %add3A_88, %select_n3A_102 : vector<16xi32>
      %mul3A_104 = arith.constant 128 : i32
      %mul3A_105 = arith.muli %while3A_73, %mul3A_104 : i32
      %add3A_106 = arith.constant 32 : i32
      %add3A_107 = arith.addi %mul3A_105, %add3A_106 : i32
      %get3A_108 = arith.index_cast %add3A_107 : i32 to index
      %get3A_109 = tpu.vector_load %arg6[%get3A_108] {strides = array<i32>} : memref<32768xi32, #tpu.memory_space<vmem>>, vector<16xi32>,
      %eq3A_110 = arith.constant 0 : i32
      %eq3A_111 = vector.broadcast %eq3A_110 : i32 to vector<16xi32>
      %eq3A_112 = arith.cmpi eq, %get3A_109, %eq3A_111 : vector<16xi32>
      %jit3A_113 = arith.constant 1 : i32
      %jit3A_114 = arith.constant 0 : i32
      %broadcast_in_dim3A_115 = vector.broadcast %jit3A_113 : i32 to vector<16xi32>
      %broadcast_in_dim3A_116 = vector.broadcast %jit3A_114 : i32 to vector<16xi32>
      %select_n3A_117 = arith.select %eq3A_112, %broadcast_in_dim3A_115, %broadcast_in_dim3A_116 : vector<16xi1>, vector<16xi32>
      %add3A_118 = arith.addi %add3A_103, %select_n3A_117 : vector<16xi32>
      %mul3A_119 = arith.constant 128 : i32
      %mul3A_120 = arith.muli %while3A_73, %mul3A_119 : i32
      %add3A_121 = arith.constant 48 : i32
      %add3A_122 = arith.addi %mul3A_120, %add3A_121 : i32
      %get3A_123 = arith.index_cast %add3A_122 : i32 to index
      %get3A_124 = tpu.vector_load %arg6[%get3A_123] {strides = array<i32>} : memref<32768xi32, #tpu.memory_space<vmem>>, vector<16xi32>,
      %eq3A_125 = arith.constant 0 : i32
      %eq3A_126 = vector.broadcast %eq3A_125 : i32 to vector<16xi32>
      %eq3A_127 = arith.cmpi eq, %get3A_124, %eq3A_126 : vector<16xi32>
      %jit3A_128 = arith.constant 1 : i32
      %jit3A_129 = arith.constant 0 : i32
      %broadcast_in_dim3A_130 = vector.broadcast %jit3A_128 : i32 to vector<16xi32>
      %broadcast_in_dim3A_131 = vector.broadcast %jit3A_129 : i32 to vector<16xi32>
      %select_n3A_132 = arith.select %eq3A_127, %broadcast_in_dim3A_130, %broadcast_in_dim3A_131 : vector<16xi1>, vector<16xi32>
      %add3A_133 = arith.addi %add3A_118, %select_n3A_132 : vector<16xi32>
      %mul3A_134 = arith.constant 128 : i32
      %mul3A_135 = arith.muli %while3A_73, %mul3A_134 : i32
      %add3A_136 = arith.constant 64 : i32
      %add3A_137 = arith.addi %mul3A_135, %add3A_136 : i32
      %get3A_138 = arith.index_cast %add3A_137 : i32 to index
      %get3A_139 = tpu.vector_load %arg6[%get3A_138] {strides = array<i32>} : memref<32768xi32, #tpu.memory_space<vmem>>, vector<16xi32>,
      %eq3A_140 = arith.constant 0 : i32
      %eq3A_141 = vector.broadcast %eq3A_140 : i32 to vector<16xi32>
      %eq3A_142 = arith.cmpi eq, %get3A_139, %eq3A_141 : vector<16xi32>
      %jit3A_143 = arith.constant 1 : i32
      %jit3A_144 = arith.constant 0 : i32
      %broadcast_in_dim3A_145 = vector.broadcast %jit3A_143 : i32 to vector<16xi32>
      %broadcast_in_dim3A_146 = vector.broadcast %jit3A_144 : i32 to vector<16xi32>
      %select_n3A_147 = arith.select %eq3A_142, %broadcast_in_dim3A_145, %broadcast_in_dim3A_146 : vector<16xi1>, vector<16xi32>
      %add3A_148 = arith.addi %add3A_133, %select_n3A_147 : vector<16xi32>
      %mul3A_149 = arith.constant 128 : i32
      %mul3A_150 = arith.muli %while3A_73, %mul3A_149 : i32
      %add3A_151 = arith.constant 80 : i32
      %add3A_152 = arith.addi %mul3A_150, %add3A_151 : i32
      %get3A_153 = arith.index_cast %add3A_152 : i32 to index
      %get3A_154 = tpu.vector_load %arg6[%get3A_153] {strides = array<i32>} : memref<32768xi32, #tpu.memory_space<vmem>>, vector<16xi32>,
      %eq3A_155 = arith.constant 0 : i32
      %eq3A_156 = vector.broadcast %eq3A_155 : i32 to vector<16xi32>
      %eq3A_157 = arith.cmpi eq, %get3A_154, %eq3A_156 : vector<16xi32>
      %jit3A_158 = arith.constant 1 : i32
      %jit3A_159 = arith.constant 0 : i32
      %broadcast_in_dim3A_160 = vector.broadcast %jit3A_158 : i32 to vector<16xi32>
      %broadcast_in_dim3A_161 = vector.broadcast %jit3A_159 : i32 to vector<16xi32>
      %select_n3A_162 = arith.select %eq3A_157, %broadcast_in_dim3A_160, %broadcast_in_dim3A_161 : vector<16xi1>, vector<16xi32>
      %add3A_163 = arith.addi %add3A_148, %select_n3A_162 : vector<16xi32>
      %mul3A_164 = arith.constant 128 : i32
      %mul3A_165 = arith.muli %while3A_73, %mul3A_164 : i32
      %add3A_166 = arith.constant 96 : i32
      %add3A_167 = arith.addi %mul3A_165, %add3A_166 : i32
      %get3A_168 = arith.index_cast %add3A_167 : i32 to index
      %get3A_169 = tpu.vector_load %arg6[%get3A_168] {strides = array<i32>} : memref<32768xi32, #tpu.memory_space<vmem>>, vector<16xi32>,
      %eq3A_170 = arith.constant 0 : i32
      %eq3A_171 = vector.broadcast %eq3A_170 : i32 to vector<16xi32>
      %eq3A_172 = arith.cmpi eq, %get3A_169, %eq3A_171 : vector<16xi32>
      %jit3A_173 = arith.constant 1 : i32
      %jit3A_174 = arith.constant 0 : i32
      %broadcast_in_dim3A_175 = vector.broadcast %jit3A_173 : i32 to vector<16xi32>
      %broadcast_in_dim3A_176 = vector.broadcast %jit3A_174 : i32 to vector<16xi32>
      %select_n3A_177 = arith.select %eq3A_172, %broadcast_in_dim3A_175, %broadcast_in_dim3A_176 : vector<16xi1>, vector<16xi32>
      %add3A_178 = arith.addi %add3A_163, %select_n3A_177 : vector<16xi32>
      %mul3A_179 = arith.constant 128 : i32
      %mul3A_180 = arith.muli %while3A_73, %mul3A_179 : i32
      %add3A_181 = arith.constant 112 : i32
      %add3A_182 = arith.addi %mul3A_180, %add3A_181 : i32
      %get3A_183 = arith.index_cast %add3A_182 : i32 to index
      %get3A_184 = tpu.vector_load %arg6[%get3A_183] {strides = array<i32>} : memref<32768xi32, #tpu.memory_space<vmem>>, vector<16xi32>,
      %eq3A_185 = arith.constant 0 : i32
      %eq3A_186 = vector.broadcast %eq3A_185 : i32 to vector<16xi32>
      %eq3A_187 = arith.cmpi eq, %get3A_184, %eq3A_186 : vector<16xi32>
      %jit3A_188 = arith.constant 1 : i32
      %jit3A_189 = arith.constant 0 : i32
      %broadcast_in_dim3A_190 = vector.broadcast %jit3A_188 : i32 to vector<16xi32>
      %broadcast_in_dim3A_191 = vector.broadcast %jit3A_189 : i32 to vector<16xi32>
      %select_n3A_192 = arith.select %eq3A_187, %broadcast_in_dim3A_190, %broadcast_in_dim3A_191 : vector<16xi1>, vector<16xi32>
      %add3A_193 = arith.addi %add3A_178, %select_n3A_192 : vector<16xi32>
      scf.yield %add3A_193 : vector<16xi32>
    }
    %reduce_sum3A = arith.constant true
    %reduce_sum3A_42 = vector.broadcast %reduce_sum3A : i1 to vector<16xi1>
    %reduce_sum3A_43 = tpu.scan <sum>, %while3A_29 masked %reduce_sum3A_42 : vector<16xi32>, vector<16xi1> -> vector<16xi32>
    %reduce_sum3A_44 = vector.extract %reduce_sum3A_43[15] : i32 from vector<16xi32>
    %reduce_sum3A_45 = arith.constant true
    %reduce_sum3A_46 = vector.broadcast %reduce_sum3A_45 : i1 to vector<16xi1>
    %reduce_sum3A_47 = tpu.scan <sum>, %while3A_41 masked %reduce_sum3A_46 : vector<16xi32>, vector<16xi1> -> vector<16xi32>
    %reduce_sum3A_48 = vector.extract %reduce_sum3A_47[15] : i32 from vector<16xi32>
    %eq3A = arith.constant 1024 : i32
    %eq3A_49 = arith.cmpi eq, %reduce_sum3A_48, %eq3A : i32
    %jit3A_50 = arith.constant 8 : i32
    %eq3A_51 = arith.constant 0 : i32
    %eq3A_52 = arith.cmpi eq, %jit3A_50, %eq3A_51 : i32
    %jit3A_53 = arith.constant 1 : i32
    %select_n3A_54 = arith.select %eq3A_52, %jit3A_53, %jit3A_50 : i32
    %rem3A_55 = arith.remsi %reduce_sum3A_44, %select_n3A_54 : i32
    %ne3A_56 = arith.constant 0 : i32
    %ne3A_57 = arith.cmpi ne, %rem3A_55, %ne3A_56 : i32
    %lt3A = arith.constant 0 : i32
    %lt3A_58 = arith.cmpi slt, %rem3A_55, %lt3A : i32
    %lt3A_59 = arith.constant 0 : i32
    %lt3A_60 = arith.cmpi slt, %select_n3A_54, %lt3A_59 : i32
    %ne3A_61 = arith.xori %lt3A_58, %lt3A_60 : i1
    %and3A_62 = arith.andi %ne3A_61, %ne3A_57 : i1
    %add3A_63 = arith.addi %rem3A_55, %select_n3A_54 : i32
    %select_n3A_64 = arith.select %and3A_62, %add3A_63, %rem3A_55 : i32
    %eq3A_65 = arith.constant 0 : i32
    %eq3A_66 = arith.cmpi eq, %select_n3A_64, %eq3A_65 : i32
    %and3A_67 = arith.andi %eq3A_49, %eq3A_66 : i1
    %convert_element_type3A = arith.extui %and3A_67 : i1 to i32
    %cond3A = arith.constant 0 : i32
    %cond3A_68 = arith.cmpi ne, %convert_element_type3A, %cond3A : i32
    scf.if %cond3A_68 {
      %multiple_of3A_73 = tpu.assume_multiple %reduce_sum3A_44, 8 : i32
      %add3A_74 = arith.constant 0 : i32
      %add3A_75 = arith.addi %multiple_of3A_73, %add3A_74 : i32
      %multiple_of3A_76 = tpu.assume_multiple %add3A_75, 8 : i32
      %dma_start3A = arith.constant 0 : i32
      %dma_start3A_77 = arith.constant 0 : i32
      %dma_start3A_78 = tpu.memref_slice %arg7[%dma_start3A, %dma_start3A_77] : memref<32x2048xf32, #tpu.memory_space<vmem>> -> memref<8x2048xf32, #tpu.memory_space<vmem>>
      %dma_start3A_79 = arith.constant 0 : i32
      %dma_start3A_80 = tpu.memref_slice %arg4[%multiple_of3A_76, %dma_start3A_79] : memref<32768x2048xf32, #tpu.memory_space<hbm>> -> memref<8x2048xf32, #tpu.memory_space<hbm>>
      %dma_start3A_81 = arith.constant 0 : i32
      %dma_start3A_82 = arith.constant 0 : i32
      %dma_start3A_83 = tpu.memref_slice %arg7[%dma_start3A_81, %dma_start3A_82] : memref<32x2048xf32, #tpu.memory_space<vmem>> -> memref<8x2048xf32, #tpu.memory_space<vmem>>
      %dma_start3A_84 = arith.constant 0 : i32
      %dma_start3A_85 = tpu.memref_slice %arg4[%multiple_of3A_76, %dma_start3A_84] : memref<32768x2048xf32, #tpu.memory_space<hbm>> -> memref<8x2048xf32, #tpu.memory_space<hbm>>
      tpu.enqueue_dma source(%dma_start3A_85 : memref<8x2048xf32, #tpu.memory_space<hbm>>) target(%dma_start3A_83 : memref<8x2048xf32, #tpu.memory_space<vmem>>) target_semaphore(%arg10 : memref<!tpu.dma_semaphore, #tpu.memory_space<semaphore_mem>>)
      %add3A_86 = arith.constant 8 : i32
      %add3A_87 = arith.addi %multiple_of3A_73, %add3A_86 : i32
      %multiple_of3A_88 = tpu.assume_multiple %add3A_87, 8 : i32
      %dma_start3A_89 = arith.constant 8 : i32
      %dma_start3A_90 = arith.constant 0 : i32
      %dma_start3A_91 = tpu.memref_slice %arg7[%dma_start3A_89, %dma_start3A_90] : memref<32x2048xf32, #tpu.memory_space<vmem>> -> memref<8x2048xf32, #tpu.memory_space<vmem>>
      %dma_start3A_92 = arith.constant 0 : i32
      %dma_start3A_93 = tpu.memref_slice %arg4[%multiple_of3A_88, %dma_start3A_92] : memref<32768x2048xf32, #tpu.memory_space<hbm>> -> memref<8x2048xf32, #tpu.memory_space<hbm>>
      %dma_start3A_94 = arith.constant 8 : i32
      %dma_start3A_95 = arith.constant 0 : i32
      %dma_start3A_96 = tpu.memref_slice %arg7[%dma_start3A_94, %dma_start3A_95] : memref<32x2048xf32, #tpu.memory_space<vmem>> -> memref<8x2048xf32, #tpu.memory_space<vmem>>
      %dma_start3A_97 = arith.constant 0 : i32
      %dma_start3A_98 = tpu.memref_slice %arg4[%multiple_of3A_88, %dma_start3A_97] : memref<32768x2048xf32, #tpu.memory_space<hbm>> -> memref<8x2048xf32, #tpu.memory_space<hbm>>
      tpu.enqueue_dma source(%dma_start3A_98 : memref<8x2048xf32, #tpu.memory_space<hbm>>) target(%dma_start3A_96 : memref<8x2048xf32, #tpu.memory_space<vmem>>) target_semaphore(%arg11 : memref<!tpu.dma_semaphore, #tpu.memory_space<semaphore_mem>>)
      %add3A_99 = arith.constant 16 : i32
      %add3A_100 = arith.addi %multiple_of3A_73, %add3A_99 : i32
      %multiple_of3A_101 = tpu.assume_multiple %add3A_100, 8 : i32
      %dma_start3A_102 = arith.constant 16 : i32
      %dma_start3A_103 = arith.constant 0 : i32
      %dma_start3A_104 = tpu.memref_slice %arg7[%dma_start3A_102, %dma_start3A_103] : memref<32x2048xf32, #tpu.memory_space<vmem>> -> memref<8x2048xf32, #tpu.memory_space<vmem>>
      %dma_start3A_105 = arith.constant 0 : i32
      %dma_start3A_106 = tpu.memref_slice %arg4[%multiple_of3A_101, %dma_start3A_105] : memref<32768x2048xf32, #tpu.memory_space<hbm>> -> memref<8x2048xf32, #tpu.memory_space<hbm>>
      %dma_start3A_107 = arith.constant 16 : i32
      %dma_start3A_108 = arith.constant 0 : i32
      %dma_start3A_109 = tpu.memref_slice %arg7[%dma_start3A_107, %dma_start3A_108] : memref<32x2048xf32, #tpu.memory_space<vmem>> -> memref<8x2048xf32, #tpu.memory_space<vmem>>
      %dma_start3A_110 = arith.constant 0 : i32
      %dma_start3A_111 = tpu.memref_slice %arg4[%multiple_of3A_101, %dma_start3A_110] : memref<32768x2048xf32, #tpu.memory_space<hbm>> -> memref<8x2048xf32, #tpu.memory_space<hbm>>
      tpu.enqueue_dma source(%dma_start3A_111 : memref<8x2048xf32, #tpu.memory_space<hbm>>) target(%dma_start3A_109 : memref<8x2048xf32, #tpu.memory_space<vmem>>) target_semaphore(%arg12 : memref<!tpu.dma_semaphore, #tpu.memory_space<semaphore_mem>>)
      %add3A_112 = arith.constant 24 : i32
      %add3A_113 = arith.addi %multiple_of3A_73, %add3A_112 : i32
      %multiple_of3A_114 = tpu.assume_multiple %add3A_113, 8 : i32
      %dma_start3A_115 = arith.constant 24 : i32
      %dma_start3A_116 = arith.constant 0 : i32
      %dma_start3A_117 = tpu.memref_slice %arg7[%dma_start3A_115, %dma_start3A_116] : memref<32x2048xf32, #tpu.memory_space<vmem>> -> memref<8x2048xf32, #tpu.memory_space<vmem>>
      %dma_start3A_118 = arith.constant 0 : i32
      %dma_start3A_119 = tpu.memref_slice %arg4[%multiple_of3A_114, %dma_start3A_118] : memref<32768x2048xf32, #tpu.memory_space<hbm>> -> memref<8x2048xf32, #tpu.memory_space<hbm>>
      %dma_start3A_120 = arith.constant 24 : i32
      %dma_start3A_121 = arith.constant 0 : i32
      %dma_start3A_122 = tpu.memref_slice %arg7[%dma_start3A_120, %dma_start3A_121] : memref<32x2048xf32, #tpu.memory_space<vmem>> -> memref<8x2048xf32, #tpu.memory_space<vmem>>
      %dma_start3A_123 = arith.constant 0 : i32
      %dma_start3A_124 = tpu.memref_slice %arg4[%multiple_of3A_114, %dma_start3A_123] : memref<32768x2048xf32, #tpu.memory_space<hbm>> -> memref<8x2048xf32, #tpu.memory_space<hbm>>
      tpu.enqueue_dma source(%dma_start3A_124 : memref<8x2048xf32, #tpu.memory_space<hbm>>) target(%dma_start3A_122 : memref<8x2048xf32, #tpu.memory_space<vmem>>) target_semaphore(%arg13 : memref<!tpu.dma_semaphore, #tpu.memory_space<semaphore_mem>>)
      %scan3A = arith.constant 0 : i32
      %scan3A_125 = arith.constant 0 : i32
      %scan3A_126 = arith.constant 32 : i32
      %scan3A_127 = arith.addi %scan3A_125, %scan3A_126 : i32
      %scan3A_128 = arith.constant 1 : i32
      %scan3A_129 = scf.for %scan3A_131 = %scan3A_125 to %scan3A_127 step %scan3A_128 iter_args(%scan3A_132 = %scan3A) -> (i32)  : i32 {
        %mul3A_133 = arith.constant 4 : i32
        %mul3A_134 = arith.muli %mul3A_133, %scan3A_131 : i32
        %dma_wait3A = arith.constant 0 : i32
        %dma_wait3A_135 = arith.constant 0 : i32
        %dma_wait3A_136 = tpu.memref_slice %arg7[%dma_wait3A, %dma_wait3A_135] : memref<32x2048xf32, #tpu.memory_space<vmem>> -> memref<8x2048xf32, #tpu.memory_space<vmem>>
        %dma_wait3A_137 = arith.constant 0 : i32
        %dma_wait3A_138 = arith.constant 0 : i32
        %dma_wait3A_139 = tpu.memref_slice %arg4[%dma_wait3A_137, %dma_wait3A_138] : memref<32768x2048xf32, #tpu.memory_space<hbm>> -> memref<8x2048xf32, #tpu.memory_space<hbm>>
        %dma_wait3A_140 = arith.constant 0 : i32
        %dma_wait3A_141 = arith.constant 0 : i32
        %dma_wait3A_142 = tpu.memref_slice %arg7[%dma_wait3A_140, %dma_wait3A_141] : memref<32x2048xf32, #tpu.memory_space<vmem>> -> memref<8x2048xf32, #tpu.memory_space<vmem>>
        %dma_wait3A_143 = arith.constant 0 : i32
        %dma_wait3A_144 = arith.constant 0 : i32
        %dma_wait3A_145 = tpu.memref_slice %arg4[%dma_wait3A_143, %dma_wait3A_144] : memref<32768x2048xf32, #tpu.memory_space<hbm>> -> memref<8x2048xf32, #tpu.memory_space<hbm>>
        tpu.wait_dma2 semaphore(%arg10 : memref<!tpu.dma_semaphore, #tpu.memory_space<semaphore_mem>>) src(%dma_wait3A_145 : memref<8x2048xf32, #tpu.memory_space<hbm>>) dst(%dma_wait3A_142 : memref<8x2048xf32, #tpu.memory_space<vmem>>)
        %add3A_146 = arith.constant 0 : i32
        %add3A_147 = arith.addi %mul3A_134, %add3A_146 : i32
        %mul3A_148 = arith.constant 8 : i32
        %mul3A_149 = arith.muli %add3A_147, %mul3A_148 : i32
        %add3A_150 = arith.addi %multiple_of3A, %mul3A_149 : i32
        %multiple_of3A_151 = tpu.assume_multiple %add3A_150, 8 : i32
        %dma_start3A_152 = arith.constant 0 : i32
        %dma_start3A_153 = arith.constant 0 : i32
        %dma_start3A_154 = tpu.memref_slice %arg7[%dma_start3A_152, %dma_start3A_153] : memref<32x2048xf32, #tpu.memory_space<vmem>> -> memref<8x2048xf32, #tpu.memory_space<vmem>>
        %dma_start3A_155 = arith.constant 0 : i32
        %dma_start3A_156 = tpu.memref_slice %arg5[%multiple_of3A_151, %dma_start3A_155] : memref<32768x2048xf32, #tpu.memory_space<hbm>> -> memref<8x2048xf32, #tpu.memory_space<hbm>>
        %dma_start3A_157 = arith.constant 0 : i32
        %dma_start3A_158 = tpu.memref_slice %arg5[%multiple_of3A_151, %dma_start3A_157] : memref<32768x2048xf32, #tpu.memory_space<hbm>> -> memref<8x2048xf32, #tpu.memory_space<hbm>>
        %dma_start3A_159 = arith.constant 0 : i32
        %dma_start3A_160 = arith.constant 0 : i32
        %dma_start3A_161 = tpu.memref_slice %arg7[%dma_start3A_159, %dma_start3A_160] : memref<32x2048xf32, #tpu.memory_space<vmem>> -> memref<8x2048xf32, #tpu.memory_space<vmem>>
        tpu.enqueue_dma source(%dma_start3A_161 : memref<8x2048xf32, #tpu.memory_space<vmem>>) target(%dma_start3A_158 : memref<8x2048xf32, #tpu.memory_space<hbm>>) target_semaphore(%arg14 : memref<!tpu.dma_semaphore, #tpu.memory_space<semaphore_mem>>)
        %dma_wait3A_162 = arith.constant 8 : i32
        %dma_wait3A_163 = arith.constant 0 : i32
        %dma_wait3A_164 = tpu.memref_slice %arg7[%dma_wait3A_162, %dma_wait3A_163] : memref<32x2048xf32, #tpu.memory_space<vmem>> -> memref<8x2048xf32, #tpu.memory_space<vmem>>
        %dma_wait3A_165 = arith.constant 0 : i32
        %dma_wait3A_166 = arith.constant 0 : i32
        %dma_wait3A_167 = tpu.memref_slice %arg4[%dma_wait3A_165, %dma_wait3A_166] : memref<32768x2048xf32, #tpu.memory_space<hbm>> -> memref<8x2048xf32, #tpu.memory_space<hbm>>
        %dma_wait3A_168 = arith.constant 8 : i32
        %dma_wait3A_169 = arith.constant 0 : i32
        %dma_wait3A_170 = tpu.memref_slice %arg7[%dma_wait3A_168, %dma_wait3A_169] : memref<32x2048xf32, #tpu.memory_space<vmem>> -> memref<8x2048xf32, #tpu.memory_space<vmem>>
        %dma_wait3A_171 = arith.constant 0 : i32
        %dma_wait3A_172 = arith.constant 0 : i32
        %dma_wait3A_173 = tpu.memref_slice %arg4[%dma_wait3A_171, %dma_wait3A_172] : memref<32768x2048xf32, #tpu.memory_space<hbm>> -> memref<8x2048xf32, #tpu.memory_space<hbm>>
        tpu.wait_dma2 semaphore(%arg11 : memref<!tpu.dma_semaphore, #tpu.memory_space<semaphore_mem>>) src(%dma_wait3A_173 : memref<8x2048xf32, #tpu.memory_space<hbm>>) dst(%dma_wait3A_170 : memref<8x2048xf32, #tpu.memory_space<vmem>>)
        %add3A_174 = arith.constant 1 : i32
        %add3A_175 = arith.addi %mul3A_134, %add3A_174 : i32
        %mul3A_176 = arith.constant 8 : i32
        %mul3A_177 = arith.muli %add3A_175, %mul3A_176 : i32
        %add3A_178 = arith.addi %multiple_of3A, %mul3A_177 : i32
        %multiple_of3A_179 = tpu.assume_multiple %add3A_178, 8 : i32
        %dma_start3A_180 = arith.constant 8 : i32
        %dma_start3A_181 = arith.constant 0 : i32
        %dma_start3A_182 = tpu.memref_slice %arg7[%dma_start3A_180, %dma_start3A_181] : memref<32x2048xf32, #tpu.memory_space<vmem>> -> memref<8x2048xf32, #tpu.memory_space<vmem>>
        %dma_start3A_183 = arith.constant 0 : i32
        %dma_start3A_184 = tpu.memref_slice %arg5[%multiple_of3A_179, %dma_start3A_183] : memref<32768x2048xf32, #tpu.memory_space<hbm>> -> memref<8x2048xf32, #tpu.memory_space<hbm>>
        %dma_start3A_185 = arith.constant 0 : i32
        %dma_start3A_186 = tpu.memref_slice %arg5[%multiple_of3A_179, %dma_start3A_185] : memref<32768x2048xf32, #tpu.memory_space<hbm>> -> memref<8x2048xf32, #tpu.memory_space<hbm>>
        %dma_start3A_187 = arith.constant 8 : i32
        %dma_start3A_188 = arith.constant 0 : i32
        %dma_start3A_189 = tpu.memref_slice %arg7[%dma_start3A_187, %dma_start3A_188] : memref<32x2048xf32, #tpu.memory_space<vmem>> -> memref<8x2048xf32, #tpu.memory_space<vmem>>
        tpu.enqueue_dma source(%dma_start3A_189 : memref<8x2048xf32, #tpu.memory_space<vmem>>) target(%dma_start3A_186 : memref<8x2048xf32, #tpu.memory_space<hbm>>) target_semaphore(%arg15 : memref<!tpu.dma_semaphore, #tpu.memory_space<semaphore_mem>>)
        %dma_wait3A_190 = arith.constant 16 : i32
        %dma_wait3A_191 = arith.constant 0 : i32
        %dma_wait3A_192 = tpu.memref_slice %arg7[%dma_wait3A_190, %dma_wait3A_191] : memref<32x2048xf32, #tpu.memory_space<vmem>> -> memref<8x2048xf32, #tpu.memory_space<vmem>>
        %dma_wait3A_193 = arith.constant 0 : i32
        %dma_wait3A_194 = arith.constant 0 : i32
        %dma_wait3A_195 = tpu.memref_slice %arg4[%dma_wait3A_193, %dma_wait3A_194] : memref<32768x2048xf32, #tpu.memory_space<hbm>> -> memref<8x2048xf32, #tpu.memory_space<hbm>>
        %dma_wait3A_196 = arith.constant 16 : i32
        %dma_wait3A_197 = arith.constant 0 : i32
        %dma_wait3A_198 = tpu.memref_slice %arg7[%dma_wait3A_196, %dma_wait3A_197] : memref<32x2048xf32, #tpu.memory_space<vmem>> -> memref<8x2048xf32, #tpu.memory_space<vmem>>
        %dma_wait3A_199 = arith.constant 0 : i32
        %dma_wait3A_200 = arith.constant 0 : i32
        %dma_wait3A_201 = tpu.memref_slice %arg4[%dma_wait3A_199, %dma_wait3A_200] : memref<32768x2048xf32, #tpu.memory_space<hbm>> -> memref<8x2048xf32, #tpu.memory_space<hbm>>
        tpu.wait_dma2 semaphore(%arg12 : memref<!tpu.dma_semaphore, #tpu.memory_space<semaphore_mem>>) src(%dma_wait3A_201 : memref<8x2048xf32, #tpu.memory_space<hbm>>) dst(%dma_wait3A_198 : memref<8x2048xf32, #tpu.memory_space<vmem>>)
        %add3A_202 = arith.constant 2 : i32
        %add3A_203 = arith.addi %mul3A_134, %add3A_202 : i32
        %mul3A_204 = arith.constant 8 : i32
        %mul3A_205 = arith.muli %add3A_203, %mul3A_204 : i32
        %add3A_206 = arith.addi %multiple_of3A, %mul3A_205 : i32
        %multiple_of3A_207 = tpu.assume_multiple %add3A_206, 8 : i32
        %dma_start3A_208 = arith.constant 16 : i32
        %dma_start3A_209 = arith.constant 0 : i32
        %dma_start3A_210 = tpu.memref_slice %arg7[%dma_start3A_208, %dma_start3A_209] : memref<32x2048xf32, #tpu.memory_space<vmem>> -> memref<8x2048xf32, #tpu.memory_space<vmem>>
        %dma_start3A_211 = arith.constant 0 : i32
        %dma_start3A_212 = tpu.memref_slice %arg5[%multiple_of3A_207, %dma_start3A_211] : memref<32768x2048xf32, #tpu.memory_space<hbm>> -> memref<8x2048xf32, #tpu.memory_space<hbm>>
        %dma_start3A_213 = arith.constant 0 : i32
        %dma_start3A_214 = tpu.memref_slice %arg5[%multiple_of3A_207, %dma_start3A_213] : memref<32768x2048xf32, #tpu.memory_space<hbm>> -> memref<8x2048xf32, #tpu.memory_space<hbm>>
        %dma_start3A_215 = arith.constant 16 : i32
        %dma_start3A_216 = arith.constant 0 : i32
        %dma_start3A_217 = tpu.memref_slice %arg7[%dma_start3A_215, %dma_start3A_216] : memref<32x2048xf32, #tpu.memory_space<vmem>> -> memref<8x2048xf32, #tpu.memory_space<vmem>>
        tpu.enqueue_dma source(%dma_start3A_217 : memref<8x2048xf32, #tpu.memory_space<vmem>>) target(%dma_start3A_214 : memref<8x2048xf32, #tpu.memory_space<hbm>>) target_semaphore(%arg16 : memref<!tpu.dma_semaphore, #tpu.memory_space<semaphore_mem>>)
        %dma_wait3A_218 = arith.constant 24 : i32
        %dma_wait3A_219 = arith.constant 0 : i32
        %dma_wait3A_220 = tpu.memref_slice %arg7[%dma_wait3A_218, %dma_wait3A_219] : memref<32x2048xf32, #tpu.memory_space<vmem>> -> memref<8x2048xf32, #tpu.memory_space<vmem>>
        %dma_wait3A_221 = arith.constant 0 : i32
        %dma_wait3A_222 = arith.constant 0 : i32
        %dma_wait3A_223 = tpu.memref_slice %arg4[%dma_wait3A_221, %dma_wait3A_222] : memref<32768x2048xf32, #tpu.memory_space<hbm>> -> memref<8x2048xf32, #tpu.memory_space<hbm>>
        %dma_wait3A_224 = arith.constant 24 : i32
        %dma_wait3A_225 = arith.constant 0 : i32
        %dma_wait3A_226 = tpu.memref_slice %arg7[%dma_wait3A_224, %dma_wait3A_225] : memref<32x2048xf32, #tpu.memory_space<vmem>> -> memref<8x2048xf32, #tpu.memory_space<vmem>>
        %dma_wait3A_227 = arith.constant 0 : i32
        %dma_wait3A_228 = arith.constant 0 : i32
        %dma_wait3A_229 = tpu.memref_slice %arg4[%dma_wait3A_227, %dma_wait3A_228] : memref<32768x2048xf32, #tpu.memory_space<hbm>> -> memref<8x2048xf32, #tpu.memory_space<hbm>>
        tpu.wait_dma2 semaphore(%arg13 : memref<!tpu.dma_semaphore, #tpu.memory_space<semaphore_mem>>) src(%dma_wait3A_229 : memref<8x2048xf32, #tpu.memory_space<hbm>>) dst(%dma_wait3A_226 : memref<8x2048xf32, #tpu.memory_space<vmem>>)
        %add3A_230 = arith.constant 3 : i32
        %add3A_231 = arith.addi %mul3A_134, %add3A_230 : i32
        %mul3A_232 = arith.constant 8 : i32
        %mul3A_233 = arith.muli %add3A_231, %mul3A_232 : i32
        %add3A_234 = arith.addi %multiple_of3A, %mul3A_233 : i32
        %multiple_of3A_235 = tpu.assume_multiple %add3A_234, 8 : i32
        %dma_start3A_236 = arith.constant 24 : i32
        %dma_start3A_237 = arith.constant 0 : i32
        %dma_start3A_238 = tpu.memref_slice %arg7[%dma_start3A_236, %dma_start3A_237] : memref<32x2048xf32, #tpu.memory_space<vmem>> -> memref<8x2048xf32, #tpu.memory_space<vmem>>
        %dma_start3A_239 = arith.constant 0 : i32
        %dma_start3A_240 = tpu.memref_slice %arg5[%multiple_of3A_235, %dma_start3A_239] : memref<32768x2048xf32, #tpu.memory_space<hbm>> -> memref<8x2048xf32, #tpu.memory_space<hbm>>
        %dma_start3A_241 = arith.constant 0 : i32
        %dma_start3A_242 = tpu.memref_slice %arg5[%multiple_of3A_235, %dma_start3A_241] : memref<32768x2048xf32, #tpu.memory_space<hbm>> -> memref<8x2048xf32, #tpu.memory_space<hbm>>
        %dma_start3A_243 = arith.constant 24 : i32
        %dma_start3A_244 = arith.constant 0 : i32
        %dma_start3A_245 = tpu.memref_slice %arg7[%dma_start3A_243, %dma_start3A_244] : memref<32x2048xf32, #tpu.memory_space<vmem>> -> memref<8x2048xf32, #tpu.memory_space<vmem>>
        tpu.enqueue_dma source(%dma_start3A_245 : memref<8x2048xf32, #tpu.memory_space<vmem>>) target(%dma_start3A_242 : memref<8x2048xf32, #tpu.memory_space<hbm>>) target_semaphore(%arg17 : memref<!tpu.dma_semaphore, #tpu.memory_space<semaphore_mem>>)
        %dma_wait3A_246 = arith.constant 0 : i32
        %dma_wait3A_247 = arith.constant 0 : i32
        %dma_wait3A_248 = tpu.memref_slice %arg7[%dma_wait3A_246, %dma_wait3A_247] : memref<32x2048xf32, #tpu.memory_space<vmem>> -> memref<8x2048xf32, #tpu.memory_space<vmem>>
        %dma_wait3A_249 = arith.constant 0 : i32
        %dma_wait3A_250 = arith.constant 0 : i32
        %dma_wait3A_251 = tpu.memref_slice %arg5[%dma_wait3A_249, %dma_wait3A_250] : memref<32768x2048xf32, #tpu.memory_space<hbm>> -> memref<8x2048xf32, #tpu.memory_space<hbm>>
        %dma_wait3A_252 = arith.constant 0 : i32
        %dma_wait3A_253 = arith.constant 0 : i32
        %dma_wait3A_254 = tpu.memref_slice %arg5[%dma_wait3A_252, %dma_wait3A_253] : memref<32768x2048xf32, #tpu.memory_space<hbm>> -> memref<8x2048xf32, #tpu.memory_space<hbm>>
        %dma_wait3A_255 = arith.constant 0 : i32
        %dma_wait3A_256 = arith.constant 0 : i32
        %dma_wait3A_257 = tpu.memref_slice %arg7[%dma_wait3A_255, %dma_wait3A_256] : memref<32x2048xf32, #tpu.memory_space<vmem>> -> memref<8x2048xf32, #tpu.memory_space<vmem>>
        tpu.wait_dma2 semaphore(%arg14 : memref<!tpu.dma_semaphore, #tpu.memory_space<semaphore_mem>>) src(%dma_wait3A_257 : memref<8x2048xf32, #tpu.memory_space<vmem>>) dst(%dma_wait3A_254 : memref<8x2048xf32, #tpu.memory_space<hbm>>)
        %add3A_258 = arith.constant 4 : i32
        %add3A_259 = arith.addi %mul3A_134, %add3A_258 : i32
        %add3A_260 = arith.constant 0 : i32
        %add3A_261 = arith.addi %add3A_259, %add3A_260 : i32
        %lt3A_262 = arith.constant 128 : i32
        %lt3A_263 = arith.cmpi slt, %add3A_261, %lt3A_262 : i32
        %convert_element_type3A_264 = arith.extui %lt3A_263 : i1 to i32
        %cond3A_265 = arith.constant 0 : i32
        %cond3A_266 = arith.cmpi ne, %convert_element_type3A_264, %cond3A_265 : i32
        scf.if %cond3A_266 {
          %add3A_331 = arith.constant 4 : i32
          %add3A_332 = arith.addi %mul3A_134, %add3A_331 : i32
          %add3A_333 = arith.constant 0 : i32
          %add3A_334 = arith.addi %add3A_332, %add3A_333 : i32
          %mul3A_335 = arith.constant 8 : i32
          %mul3A_336 = arith.muli %add3A_334, %mul3A_335 : i32
          %add3A_337 = arith.addi %multiple_of3A_73, %mul3A_336 : i32
          %multiple_of3A_338 = tpu.assume_multiple %add3A_337, 8 : i32
          %dma_start3A_339 = arith.constant 0 : i32
          %dma_start3A_340 = arith.constant 0 : i32
          %dma_start3A_341 = tpu.memref_slice %arg7[%dma_start3A_339, %dma_start3A_340] : memref<32x2048xf32, #tpu.memory_space<vmem>> -> memref<8x2048xf32, #tpu.memory_space<vmem>>
          %dma_start3A_342 = arith.constant 0 : i32
          %dma_start3A_343 = tpu.memref_slice %arg4[%multiple_of3A_338, %dma_start3A_342] : memref<32768x2048xf32, #tpu.memory_space<hbm>> -> memref<8x2048xf32, #tpu.memory_space<hbm>>
          %dma_start3A_344 = arith.constant 0 : i32
          %dma_start3A_345 = arith.constant 0 : i32
          %dma_start3A_346 = tpu.memref_slice %arg7[%dma_start3A_344, %dma_start3A_345] : memref<32x2048xf32, #tpu.memory_space<vmem>> -> memref<8x2048xf32, #tpu.memory_space<vmem>>
          %dma_start3A_347 = arith.constant 0 : i32
          %dma_start3A_348 = tpu.memref_slice %arg4[%multiple_of3A_338, %dma_start3A_347] : memref<32768x2048xf32, #tpu.memory_space<hbm>> -> memref<8x2048xf32, #tpu.memory_space<hbm>>
          tpu.enqueue_dma source(%dma_start3A_348 : memref<8x2048xf32, #tpu.memory_space<hbm>>) target(%dma_start3A_346 : memref<8x2048xf32, #tpu.memory_space<vmem>>) target_semaphore(%arg10 : memref<!tpu.dma_semaphore, #tpu.memory_space<semaphore_mem>>)
        } else {
        }
        %dma_wait3A_267 = arith.constant 8 : i32
        %dma_wait3A_268 = arith.constant 0 : i32
        %dma_wait3A_269 = tpu.memref_slice %arg7[%dma_wait3A_267, %dma_wait3A_268] : memref<32x2048xf32, #tpu.memory_space<vmem>> -> memref<8x2048xf32, #tpu.memory_space<vmem>>
        %dma_wait3A_270 = arith.constant 0 : i32
        %dma_wait3A_271 = arith.constant 0 : i32
        %dma_wait3A_272 = tpu.memref_slice %arg5[%dma_wait3A_270, %dma_wait3A_271] : memref<32768x2048xf32, #tpu.memory_space<hbm>> -> memref<8x2048xf32, #tpu.memory_space<hbm>>
        %dma_wait3A_273 = arith.constant 0 : i32
        %dma_wait3A_274 = arith.constant 0 : i32
        %dma_wait3A_275 = tpu.memref_slice %arg5[%dma_wait3A_273, %dma_wait3A_274] : memref<32768x2048xf32, #tpu.memory_space<hbm>> -> memref<8x2048xf32, #tpu.memory_space<hbm>>
        %dma_wait3A_276 = arith.constant 8 : i32
        %dma_wait3A_277 = arith.constant 0 : i32
        %dma_wait3A_278 = tpu.memref_slice %arg7[%dma_wait3A_276, %dma_wait3A_277] : memref<32x2048xf32, #tpu.memory_space<vmem>> -> memref<8x2048xf32, #tpu.memory_space<vmem>>
        tpu.wait_dma2 semaphore(%arg15 : memref<!tpu.dma_semaphore, #tpu.memory_space<semaphore_mem>>) src(%dma_wait3A_278 : memref<8x2048xf32, #tpu.memory_space<vmem>>) dst(%dma_wait3A_275 : memref<8x2048xf32, #tpu.memory_space<hbm>>)
        %add3A_279 = arith.constant 4 : i32
        %add3A_280 = arith.addi %mul3A_134, %add3A_279 : i32
        %add3A_281 = arith.constant 1 : i32
        %add3A_282 = arith.addi %add3A_280, %add3A_281 : i32
        %lt3A_283 = arith.constant 128 : i32
        %lt3A_284 = arith.cmpi slt, %add3A_282, %lt3A_283 : i32
        %convert_element_type3A_285 = arith.extui %lt3A_284 : i1 to i32
        %cond3A_286 = arith.constant 0 : i32
        %cond3A_287 = arith.cmpi ne, %convert_element_type3A_285, %cond3A_286 : i32
        scf.if %cond3A_287 {
          %add3A_331 = arith.constant 4 : i32
          %add3A_332 = arith.addi %mul3A_134, %add3A_331 : i32
          %add3A_333 = arith.constant 1 : i32
          %add3A_334 = arith.addi %add3A_332, %add3A_333 : i32
          %mul3A_335 = arith.constant 8 : i32
          %mul3A_336 = arith.muli %add3A_334, %mul3A_335 : i32
          %add3A_337 = arith.addi %multiple_of3A_73, %mul3A_336 : i32
          %multiple_of3A_338 = tpu.assume_multiple %add3A_337, 8 : i32
          %dma_start3A_339 = arith.constant 8 : i32
          %dma_start3A_340 = arith.constant 0 : i32
          %dma_start3A_341 = tpu.memref_slice %arg7[%dma_start3A_339, %dma_start3A_340] : memref<32x2048xf32, #tpu.memory_space<vmem>> -> memref<8x2048xf32, #tpu.memory_space<vmem>>
          %dma_start3A_342 = arith.constant 0 : i32
          %dma_start3A_343 = tpu.memref_slice %arg4[%multiple_of3A_338, %dma_start3A_342] : memref<32768x2048xf32, #tpu.memory_space<hbm>> -> memref<8x2048xf32, #tpu.memory_space<hbm>>
          %dma_start3A_344 = arith.constant 8 : i32
          %dma_start3A_345 = arith.constant 0 : i32
          %dma_start3A_346 = tpu.memref_slice %arg7[%dma_start3A_344, %dma_start3A_345] : memref<32x2048xf32, #tpu.memory_space<vmem>> -> memref<8x2048xf32, #tpu.memory_space<vmem>>
          %dma_start3A_347 = arith.constant 0 : i32
          %dma_start3A_348 = tpu.memref_slice %arg4[%multiple_of3A_338, %dma_start3A_347] : memref<32768x2048xf32, #tpu.memory_space<hbm>> -> memref<8x2048xf32, #tpu.memory_space<hbm>>
          tpu.enqueue_dma source(%dma_start3A_348 : memref<8x2048xf32, #tpu.memory_space<hbm>>) target(%dma_start3A_346 : memref<8x2048xf32, #tpu.memory_space<vmem>>) target_semaphore(%arg11 : memref<!tpu.dma_semaphore, #tpu.memory_space<semaphore_mem>>)
        } else {
        }
        %dma_wait3A_288 = arith.constant 16 : i32
        %dma_wait3A_289 = arith.constant 0 : i32
        %dma_wait3A_290 = tpu.memref_slice %arg7[%dma_wait3A_288, %dma_wait3A_289] : memref<32x2048xf32, #tpu.memory_space<vmem>> -> memref<8x2048xf32, #tpu.memory_space<vmem>>
        %dma_wait3A_291 = arith.constant 0 : i32
        %dma_wait3A_292 = arith.constant 0 : i32
        %dma_wait3A_293 = tpu.memref_slice %arg5[%dma_wait3A_291, %dma_wait3A_292] : memref<32768x2048xf32, #tpu.memory_space<hbm>> -> memref<8x2048xf32, #tpu.memory_space<hbm>>
        %dma_wait3A_294 = arith.constant 0 : i32
        %dma_wait3A_295 = arith.constant 0 : i32
        %dma_wait3A_296 = tpu.memref_slice %arg5[%dma_wait3A_294, %dma_wait3A_295] : memref<32768x2048xf32, #tpu.memory_space<hbm>> -> memref<8x2048xf32, #tpu.memory_space<hbm>>
        %dma_wait3A_297 = arith.constant 16 : i32
        %dma_wait3A_298 = arith.constant 0 : i32
        %dma_wait3A_299 = tpu.memref_slice %arg7[%dma_wait3A_297, %dma_wait3A_298] : memref<32x2048xf32, #tpu.memory_space<vmem>> -> memref<8x2048xf32, #tpu.memory_space<vmem>>
        tpu.wait_dma2 semaphore(%arg16 : memref<!tpu.dma_semaphore, #tpu.memory_space<semaphore_mem>>) src(%dma_wait3A_299 : memref<8x2048xf32, #tpu.memory_space<vmem>>) dst(%dma_wait3A_296 : memref<8x2048xf32, #tpu.memory_space<hbm>>)
        %add3A_300 = arith.constant 4 : i32
        %add3A_301 = arith.addi %mul3A_134, %add3A_300 : i32
        %add3A_302 = arith.constant 2 : i32
        %add3A_303 = arith.addi %add3A_301, %add3A_302 : i32
        %lt3A_304 = arith.constant 128 : i32
        %lt3A_305 = arith.cmpi slt, %add3A_303, %lt3A_304 : i32
        %convert_element_type3A_306 = arith.extui %lt3A_305 : i1 to i32
        %cond3A_307 = arith.constant 0 : i32
        %cond3A_308 = arith.cmpi ne, %convert_element_type3A_306, %cond3A_307 : i32
        scf.if %cond3A_308 {
          %add3A_331 = arith.constant 4 : i32
          %add3A_332 = arith.addi %mul3A_134, %add3A_331 : i32
          %add3A_333 = arith.constant 2 : i32
          %add3A_334 = arith.addi %add3A_332, %add3A_333 : i32
          %mul3A_335 = arith.constant 8 : i32
          %mul3A_336 = arith.muli %add3A_334, %mul3A_335 : i32
          %add3A_337 = arith.addi %multiple_of3A_73, %mul3A_336 : i32
          %multiple_of3A_338 = tpu.assume_multiple %add3A_337, 8 : i32
          %dma_start3A_339 = arith.constant 16 : i32
          %dma_start3A_340 = arith.constant 0 : i32
          %dma_start3A_341 = tpu.memref_slice %arg7[%dma_start3A_339, %dma_start3A_340] : memref<32x2048xf32, #tpu.memory_space<vmem>> -> memref<8x2048xf32, #tpu.memory_space<vmem>>
          %dma_start3A_342 = arith.constant 0 : i32
          %dma_start3A_343 = tpu.memref_slice %arg4[%multiple_of3A_338, %dma_start3A_342] : memref<32768x2048xf32, #tpu.memory_space<hbm>> -> memref<8x2048xf32, #tpu.memory_space<hbm>>
          %dma_start3A_344 = arith.constant 16 : i32
          %dma_start3A_345 = arith.constant 0 : i32
          %dma_start3A_346 = tpu.memref_slice %arg7[%dma_start3A_344, %dma_start3A_345] : memref<32x2048xf32, #tpu.memory_space<vmem>> -> memref<8x2048xf32, #tpu.memory_space<vmem>>
          %dma_start3A_347 = arith.constant 0 : i32
          %dma_start3A_348 = tpu.memref_slice %arg4[%multiple_of3A_338, %dma_start3A_347] : memref<32768x2048xf32, #tpu.memory_space<hbm>> -> memref<8x2048xf32, #tpu.memory_space<hbm>>
          tpu.enqueue_dma source(%dma_start3A_348 : memref<8x2048xf32, #tpu.memory_space<hbm>>) target(%dma_start3A_346 : memref<8x2048xf32, #tpu.memory_space<vmem>>) target_semaphore(%arg12 : memref<!tpu.dma_semaphore, #tpu.memory_space<semaphore_mem>>)
        } else {
        }
        %dma_wait3A_309 = arith.constant 24 : i32
        %dma_wait3A_310 = arith.constant 0 : i32
        %dma_wait3A_311 = tpu.memref_slice %arg7[%dma_wait3A_309, %dma_wait3A_310] : memref<32x2048xf32, #tpu.memory_space<vmem>> -> memref<8x2048xf32, #tpu.memory_space<vmem>>
        %dma_wait3A_312 = arith.constant 0 : i32
        %dma_wait3A_313 = arith.constant 0 : i32
        %dma_wait3A_314 = tpu.memref_slice %arg5[%dma_wait3A_312, %dma_wait3A_313] : memref<32768x2048xf32, #tpu.memory_space<hbm>> -> memref<8x2048xf32, #tpu.memory_space<hbm>>
        %dma_wait3A_315 = arith.constant 0 : i32
        %dma_wait3A_316 = arith.constant 0 : i32
        %dma_wait3A_317 = tpu.memref_slice %arg5[%dma_wait3A_315, %dma_wait3A_316] : memref<32768x2048xf32, #tpu.memory_space<hbm>> -> memref<8x2048xf32, #tpu.memory_space<hbm>>
        %dma_wait3A_318 = arith.constant 24 : i32
        %dma_wait3A_319 = arith.constant 0 : i32
        %dma_wait3A_320 = tpu.memref_slice %arg7[%dma_wait3A_318, %dma_wait3A_319] : memref<32x2048xf32, #tpu.memory_space<vmem>> -> memref<8x2048xf32, #tpu.memory_space<vmem>>
        tpu.wait_dma2 semaphore(%arg17 : memref<!tpu.dma_semaphore, #tpu.memory_space<semaphore_mem>>) src(%dma_wait3A_320 : memref<8x2048xf32, #tpu.memory_space<vmem>>) dst(%dma_wait3A_317 : memref<8x2048xf32, #tpu.memory_space<hbm>>)
        %add3A_321 = arith.constant 4 : i32
        %add3A_322 = arith.addi %mul3A_134, %add3A_321 : i32
        %add3A_323 = arith.constant 3 : i32
        %add3A_324 = arith.addi %add3A_322, %add3A_323 : i32
        %lt3A_325 = arith.constant 128 : i32
        %lt3A_326 = arith.cmpi slt, %add3A_324, %lt3A_325 : i32
        %convert_element_type3A_327 = arith.extui %lt3A_326 : i1 to i32
        %cond3A_328 = arith.constant 0 : i32
        %cond3A_329 = arith.cmpi ne, %convert_element_type3A_327, %cond3A_328 : i32
        scf.if %cond3A_329 {
          %add3A_331 = arith.constant 4 : i32
          %add3A_332 = arith.addi %mul3A_134, %add3A_331 : i32
          %add3A_333 = arith.constant 3 : i32
          %add3A_334 = arith.addi %add3A_332, %add3A_333 : i32
          %mul3A_335 = arith.constant 8 : i32
          %mul3A_336 = arith.muli %add3A_334, %mul3A_335 : i32
          %add3A_337 = arith.addi %multiple_of3A_73, %mul3A_336 : i32
          %multiple_of3A_338 = tpu.assume_multiple %add3A_337, 8 : i32
          %dma_start3A_339 = arith.constant 24 : i32
          %dma_start3A_340 = arith.constant 0 : i32
          %dma_start3A_341 = tpu.memref_slice %arg7[%dma_start3A_339, %dma_start3A_340] : memref<32x2048xf32, #tpu.memory_space<vmem>> -> memref<8x2048xf32, #tpu.memory_space<vmem>>
          %dma_start3A_342 = arith.constant 0 : i32
          %dma_start3A_343 = tpu.memref_slice %arg4[%multiple_of3A_338, %dma_start3A_342] : memref<32768x2048xf32, #tpu.memory_space<hbm>> -> memref<8x2048xf32, #tpu.memory_space<hbm>>
          %dma_start3A_344 = arith.constant 24 : i32
          %dma_start3A_345 = arith.constant 0 : i32
          %dma_start3A_346 = tpu.memref_slice %arg7[%dma_start3A_344, %dma_start3A_345] : memref<32x2048xf32, #tpu.memory_space<vmem>> -> memref<8x2048xf32, #tpu.memory_space<vmem>>
          %dma_start3A_347 = arith.constant 0 : i32
          %dma_start3A_348 = tpu.memref_slice %arg4[%multiple_of3A_338, %dma_start3A_347] : memref<32768x2048xf32, #tpu.memory_space<hbm>> -> memref<8x2048xf32, #tpu.memory_space<hbm>>
          tpu.enqueue_dma source(%dma_start3A_348 : memref<8x2048xf32, #tpu.memory_space<hbm>>) target(%dma_start3A_346 : memref<8x2048xf32, #tpu.memory_space<vmem>>) target_semaphore(%arg13 : memref<!tpu.dma_semaphore, #tpu.memory_space<semaphore_mem>>)
        } else {
        }
        %scan3A_330 = arith.constant 0 : i32
        scf.yield %scan3A_330 : i32
      }
      %scan3A_130 = arith.constant 32 : i32
    } else {
    }
    %not3A = arith.constant true
    %not3A_69 = arith.xori %and3A_67, %not3A : i1
    %convert_element_type3A_70 = arith.extui %not3A_69 : i1 to i32
    %cond3A_71 = arith.constant 0 : i32
    %cond3A_72 = arith.cmpi ne, %convert_element_type3A_70, %cond3A_71 : i32
    scf.if %cond3A_72 {
      %scan3A = arith.constant 0 : i32
      %scan3A_73 = arith.constant 64 : i32
      %scan3A_74 = arith.addi %scan3A, %scan3A_73 : i32
      %scan3A_75 = arith.constant 1 : i32
      %scan3A_76 = scf.for %scan3A_78 = %scan3A to %scan3A_74 step %scan3A_75 iter_args(%scan3A_79 = %reduce_sum3A_44) -> (i32)  : i32 {
        %mul3A_80 = arith.constant 16 : i32
        %mul3A_81 = arith.muli %scan3A_78, %mul3A_80 : i32
        %add3A_82 = arith.addi %multiple_of3A, %mul3A_81 : i32
        %multiple_of3A_83 = tpu.assume_multiple %add3A_82, 8 : i32
        %get3A = arith.index_cast %multiple_of3A_83 : i32 to index
        %get3A_84 = tpu.vector_load %arg6[%get3A] {strides = array<i32>} : memref<32768xi32, #tpu.memory_space<vmem>>, vector<16xi32>,
        %eq3A_85 = arith.constant 0 : i32
        %eq3A_86 = vector.broadcast %eq3A_85 : i32 to vector<16xi32>
        %eq3A_87 = arith.cmpi eq, %get3A_84, %eq3A_86 : vector<16xi32>
        %jit3A_88 = arith.constant 1 : i32
        %jit3A_89 = arith.constant 0 : i32
        %broadcast_in_dim3A_90 = vector.broadcast %jit3A_88 : i32 to vector<16xi32>
        %broadcast_in_dim3A_91 = vector.broadcast %jit3A_89 : i32 to vector<16xi32>
        %select_n3A_92 = arith.select %eq3A_87, %broadcast_in_dim3A_90, %broadcast_in_dim3A_91 : vector<16xi1>, vector<16xi32>
        %reduce_sum3A_93 = arith.constant true
        %reduce_sum3A_94 = vector.broadcast %reduce_sum3A_93 : i1 to vector<16xi1>
        %reduce_sum3A_95 = tpu.scan <sum>, %select_n3A_92 masked %reduce_sum3A_94 : vector<16xi32>, vector<16xi1> -> vector<16xi32>
        %reduce_sum3A_96 = vector.extract %reduce_sum3A_95[15] : i32 from vector<16xi32>
        %broadcast_in_dim3A_97 = arith.constant true
        %broadcast_in_dim3A_98 = vector.broadcast %broadcast_in_dim3A_97 : i1 to vector<16xi1>
        %masked_cumsum3A = tpu.scan <sum>, %select_n3A_92 masked %broadcast_in_dim3A_98 : vector<16xi32>, vector<16xi1> -> vector<16xi32>
        %sub3A_99 = arith.constant 1 : i32
        %sub3A_100 = vector.broadcast %sub3A_99 : i32 to vector<16xi32>
        %sub3A_101 = arith.subi %masked_cumsum3A, %sub3A_100 : vector<16xi32>
        %iota3A = tpu.iota {dimensions = array<i32: 0>} : vector<16xi32>
        %add3A_102 = vector.broadcast %multiple_of3A_83 : i32 to vector<16xi32>
        %add3A_103 = arith.addi %add3A_102, %iota3A : vector<16xi32>
        "tpu.region"() ({
          %run_scoped3A = tpu.sem_alloc : memref<!tpu.dma_semaphore, #tpu.memory_space<semaphore_mem>>
          %dma_start3A = arith.constant 0 : i32
          %dma_start3A_109 = arith.constant 0 : i32
          %dma_start3A_110 = tpu.memref_slice %arg7[%dma_start3A, %dma_start3A_109] : memref<32x2048xf32, #tpu.memory_space<vmem>> -> memref<16x2048xf32, #tpu.memory_space<vmem>>
          %dma_start3A_111 = arith.constant 0 : i32
          %dma_start3A_112 = tpu.memref_slice %arg2[%multiple_of3A_83, %dma_start3A_111] : memref<32768x2048xf32, #tpu.memory_space<hbm>> -> memref<16x2048xf32, #tpu.memory_space<hbm>>
          %dma_start3A_113 = arith.constant 0 : i32
          %dma_start3A_114 = arith.constant 0 : i32
          %dma_start3A_115 = tpu.memref_slice %arg7[%dma_start3A_113, %dma_start3A_114] : memref<32x2048xf32, #tpu.memory_space<vmem>> -> memref<16x2048xf32, #tpu.memory_space<vmem>>
          %dma_start3A_116 = arith.constant 0 : i32
          %dma_start3A_117 = tpu.memref_slice %arg2[%multiple_of3A_83, %dma_start3A_116] : memref<32768x2048xf32, #tpu.memory_space<hbm>> -> memref<16x2048xf32, #tpu.memory_space<hbm>>
          tpu.enqueue_dma source(%dma_start3A_117 : memref<16x2048xf32, #tpu.memory_space<hbm>>) target(%dma_start3A_115 : memref<16x2048xf32, #tpu.memory_space<vmem>>) target_semaphore(%run_scoped3A : memref<!tpu.dma_semaphore, #tpu.memory_space<semaphore_mem>>)
          %dma_wait3A = arith.constant 0 : i32
          %dma_wait3A_118 = arith.constant 0 : i32
          %dma_wait3A_119 = tpu.memref_slice %arg7[%dma_wait3A, %dma_wait3A_118] : memref<32x2048xf32, #tpu.memory_space<vmem>> -> memref<16x2048xf32, #tpu.memory_space<vmem>>
          %dma_wait3A_120 = arith.constant 0 : i32
          %dma_wait3A_121 = tpu.memref_slice %arg2[%multiple_of3A_83, %dma_wait3A_120] : memref<32768x2048xf32, #tpu.memory_space<hbm>> -> memref<16x2048xf32, #tpu.memory_space<hbm>>
          %dma_wait3A_122 = arith.constant 0 : i32
          %dma_wait3A_123 = arith.constant 0 : i32
          %dma_wait3A_124 = tpu.memref_slice %arg7[%dma_wait3A_122, %dma_wait3A_123] : memref<32x2048xf32, #tpu.memory_space<vmem>> -> memref<16x2048xf32, #tpu.memory_space<vmem>>
          %dma_wait3A_125 = arith.constant 0 : i32
          %dma_wait3A_126 = tpu.memref_slice %arg2[%multiple_of3A_83, %dma_wait3A_125] : memref<32768x2048xf32, #tpu.memory_space<hbm>> -> memref<16x2048xf32, #tpu.memory_space<hbm>>
          tpu.wait_dma2 semaphore(%run_scoped3A : memref<!tpu.dma_semaphore, #tpu.memory_space<semaphore_mem>>) src(%dma_wait3A_126 : memref<16x2048xf32, #tpu.memory_space<hbm>>) dst(%dma_wait3A_124 : memref<16x2048xf32, #tpu.memory_space<vmem>>)
          tpu.yield
        }) : () -> ()
        "tpu.region"() ({
          %run_scoped3A = tpu.sem_alloc : memref<!tpu.dma_semaphore, #tpu.memory_space<semaphore_mem>>
          %dma_start3A = arith.constant 0 : i32
          %dma_start3A_109 = arith.constant 0 : i32
          %dma_start3A_110 = tpu.memref_slice %arg7[%dma_start3A, %dma_start3A_109] : memref<32x2048xf32, #tpu.memory_space<vmem>> -> memref<16x2048xf32, #tpu.memory_space<vmem>>
          %dma_start3A_111 = arith.constant 0 : i32
          %dma_start3A_112 = tpu.memref_slice %arg5[%multiple_of3A_83, %dma_start3A_111] : memref<32768x2048xf32, #tpu.memory_space<hbm>> -> memref<16x2048xf32, #tpu.memory_space<hbm>>
          %dma_start3A_113 = arith.constant 0 : i32
          %dma_start3A_114 = tpu.memref_slice %arg5[%multiple_of3A_83, %dma_start3A_113] : memref<32768x2048xf32, #tpu.memory_space<hbm>> -> memref<16x2048xf32, #tpu.memory_space<hbm>>
          %dma_start3A_115 = arith.constant 0 : i32
          %dma_start3A_116 = arith.constant 0 : i32
          %dma_start3A_117 = tpu.memref_slice %arg7[%dma_start3A_115, %dma_start3A_116] : memref<32x2048xf32, #tpu.memory_space<vmem>> -> memref<16x2048xf32, #tpu.memory_space<vmem>>
          tpu.enqueue_dma source(%dma_start3A_117 : memref<16x2048xf32, #tpu.memory_space<vmem>>) target(%dma_start3A_114 : memref<16x2048xf32, #tpu.memory_space<hbm>>) target_semaphore(%run_scoped3A : memref<!tpu.dma_semaphore, #tpu.memory_space<semaphore_mem>>)
          %dma_wait3A = arith.constant 0 : i32
          %dma_wait3A_118 = arith.constant 0 : i32
          %dma_wait3A_119 = tpu.memref_slice %arg7[%dma_wait3A, %dma_wait3A_118] : memref<32x2048xf32, #tpu.memory_space<vmem>> -> memref<16x2048xf32, #tpu.memory_space<vmem>>
          %dma_wait3A_120 = arith.constant 0 : i32
          %dma_wait3A_121 = tpu.memref_slice %arg5[%multiple_of3A_83, %dma_wait3A_120] : memref<32768x2048xf32, #tpu.memory_space<hbm>> -> memref<16x2048xf32, #tpu.memory_space<hbm>>
          %dma_wait3A_122 = arith.constant 0 : i32
          %dma_wait3A_123 = tpu.memref_slice %arg5[%multiple_of3A_83, %dma_wait3A_122] : memref<32768x2048xf32, #tpu.memory_space<hbm>> -> memref<16x2048xf32, #tpu.memory_space<hbm>>
          %dma_wait3A_124 = arith.constant 0 : i32
          %dma_wait3A_125 = arith.constant 0 : i32
          %dma_wait3A_126 = tpu.memref_slice %arg7[%dma_wait3A_124, %dma_wait3A_125] : memref<32x2048xf32, #tpu.memory_space<vmem>> -> memref<16x2048xf32, #tpu.memory_space<vmem>>
          tpu.wait_dma2 semaphore(%run_scoped3A : memref<!tpu.dma_semaphore, #tpu.memory_space<semaphore_mem>>) src(%dma_wait3A_126 : memref<16x2048xf32, #tpu.memory_space<vmem>>) dst(%dma_wait3A_123 : memref<16x2048xf32, #tpu.memory_space<hbm>>)
          tpu.yield
        }) : () -> ()
        %gt3A = arith.constant 0 : i32
        %gt3A_104 = arith.cmpi sgt, %reduce_sum3A_96, %gt3A : i32
        %convert_element_type3A_105 = arith.extui %gt3A_104 : i1 to i32
        %cond3A_106 = arith.constant 0 : i32
        %cond3A_107 = arith.cmpi ne, %convert_element_type3A_105, %cond3A_106 : i32
        scf.if %cond3A_107 {
          %jit3A_109 = arith.constant 0 : i32
          %broadcast_in_dim3A_110 = vector.broadcast %jit3A_109 : i32 to vector<16xi32>
          %select_n3A_111 = arith.select %eq3A_87, %sub3A_101, %broadcast_in_dim3A_110 : vector<16xi1>, vector<16xi32>
          %add3A_112 = vector.broadcast %scan3A_79 : i32 to vector<16xi32>
          %add3A_113 = arith.addi %add3A_112, %select_n3A_111 : vector<16xi32>
          %swap3A = arith.constant 0 : index
          %swap3A_114 = tpu.vector_load %arg8[%swap3A] {strides = array<i32>} : memref<16xi32, #tpu.memory_space<vmem>>, vector<16xi32>,
          tpu.vector_store %arg8[%swap3A], %add3A_113 {strides = array<i32>} : memref<16xi32, #tpu.memory_space<vmem>>, vector<16xi32>,
          %jit3A_115 = arith.constant 2147483647 : i32
          %broadcast_in_dim3A_116 = vector.broadcast %jit3A_115 : i32 to vector<16xi32>
          %select_n3A_117 = arith.select %eq3A_87, %add3A_103, %broadcast_in_dim3A_116 : vector<16xi1>, vector<16xi32>
          %reduce_min3A = arith.constant true
          %reduce_min3A_118 = vector.broadcast %reduce_min3A : i1 to vector<16xi1>
          %reduce_min3A_119 = arith.constant -2147483648 : i32
          %reduce_min3A_120 = vector.broadcast %reduce_min3A_119 : i32 to vector<16xi32>
          %reduce_min3A_121 = arith.xori %select_n3A_117, %reduce_min3A_120 : vector<16xi32>
          %reduce_min3A_122 = tpu.scan <min>, %reduce_min3A_121 masked %reduce_min3A_118 : vector<16xi32>, vector<16xi1> -> vector<16xi32>
          %reduce_min3A_123 = arith.xori %reduce_min3A_122, %reduce_min3A_120 : vector<16xi32>
          %reduce_min3A_124 = vector.extract %reduce_min3A_123[15] : i32 from vector<16xi32>
          %broadcast_in_dim3A_125 = vector.broadcast %reduce_min3A_124 : i32 to vector<16xi32>
          %select_n3A_126 = arith.select %eq3A_87, %add3A_103, %broadcast_in_dim3A_125 : vector<16xi1>, vector<16xi32>
          %swap3A_127 = arith.constant 0 : index
          %swap3A_128 = tpu.vector_load %arg9[%swap3A_127] {strides = array<i32>} : memref<16xi32, #tpu.memory_space<vmem>>, vector<16xi32>,
          tpu.vector_store %arg9[%swap3A_127], %select_n3A_126 {strides = array<i32>} : memref<16xi32, #tpu.memory_space<vmem>>, vector<16xi32>,
          %dma_start3A = arith.constant 16 : i32
          %dma_start3A_129 = arith.constant 0 : i32
          %dma_start3A_130 = tpu.memref_slice %arg7[%dma_start3A, %dma_start3A_129] : memref<32x2048xf32, #tpu.memory_space<vmem>> -> memref<16x2048xf32, #tpu.memory_space<vmem>>
          %dma_start3A_131 = arith.constant 0 : i32
          %dma_start3A_132 = arith.constant 0 : i32
          %dma_start3A_133 = tpu.memref_slice %arg4[%dma_start3A_131, %dma_start3A_132] : memref<32768x2048xf32, #tpu.memory_space<hbm>> -> memref<32768x2048xf32, #tpu.memory_space<hbm>>
          tpu.enqueue_indirect_dma source(%dma_start3A_133 : memref<32768x2048xf32, #tpu.memory_space<hbm>>) target(%dma_start3A_130 : memref<16x2048xf32, #tpu.memory_space<vmem>>) offsets(%arg8 : memref<16xi32, #tpu.memory_space<vmem>>) semaphore(%arg10 : memref<!tpu.dma_semaphore, #tpu.memory_space<semaphore_mem>>)
          %dma_wait3A = arith.constant 16 : i32
          %dma_wait3A_134 = arith.constant 0 : i32
          %dma_wait3A_135 = tpu.memref_slice %arg7[%dma_wait3A, %dma_wait3A_134] : memref<32x2048xf32, #tpu.memory_space<vmem>> -> memref<16x2048xf32, #tpu.memory_space<vmem>>
          %dma_wait3A_136 = arith.constant 0 : i32
          %dma_wait3A_137 = arith.constant 0 : i32
          %dma_wait3A_138 = tpu.memref_slice %arg4[%dma_wait3A_136, %dma_wait3A_137] : memref<32768x2048xf32, #tpu.memory_space<hbm>> -> memref<32768x2048xf32, #tpu.memory_space<hbm>>
          tpu.wait_indirect_dma semaphore(%arg10 : memref<!tpu.dma_semaphore, #tpu.memory_space<semaphore_mem>>) src(%dma_wait3A_138 : memref<32768x2048xf32, #tpu.memory_space<hbm>>) dst(%dma_wait3A_135 : memref<16x2048xf32, #tpu.memory_space<vmem>>)
          %dma_start3A_139 = arith.constant 16 : i32
          %dma_start3A_140 = arith.constant 0 : i32
          %dma_start3A_141 = tpu.memref_slice %arg7[%dma_start3A_139, %dma_start3A_140] : memref<32x2048xf32, #tpu.memory_space<vmem>> -> memref<16x2048xf32, #tpu.memory_space<vmem>>
          %dma_start3A_142 = arith.constant 0 : i32
          %dma_start3A_143 = arith.constant 0 : i32
          %dma_start3A_144 = tpu.memref_slice %arg5[%dma_start3A_142, %dma_start3A_143] : memref<32768x2048xf32, #tpu.memory_space<hbm>> -> memref<32768x2048xf32, #tpu.memory_space<hbm>>
          tpu.enqueue_indirect_dma source(%dma_start3A_141 : memref<16x2048xf32, #tpu.memory_space<vmem>>) target(%dma_start3A_144 : memref<32768x2048xf32, #tpu.memory_space<hbm>>) offsets(%arg9 : memref<16xi32, #tpu.memory_space<vmem>>) semaphore(%arg14 : memref<!tpu.dma_semaphore, #tpu.memory_space<semaphore_mem>>)
          %dma_wait3A_145 = arith.constant 16 : i32
          %dma_wait3A_146 = arith.constant 0 : i32
          %dma_wait3A_147 = tpu.memref_slice %arg7[%dma_wait3A_145, %dma_wait3A_146] : memref<32x2048xf32, #tpu.memory_space<vmem>> -> memref<16x2048xf32, #tpu.memory_space<vmem>>
          %dma_wait3A_148 = arith.constant 0 : i32
          %dma_wait3A_149 = arith.constant 0 : i32
          %dma_wait3A_150 = tpu.memref_slice %arg5[%dma_wait3A_148, %dma_wait3A_149] : memref<32768x2048xf32, #tpu.memory_space<hbm>> -> memref<32768x2048xf32, #tpu.memory_space<hbm>>
          tpu.wait_indirect_dma semaphore(%arg14 : memref<!tpu.dma_semaphore, #tpu.memory_space<semaphore_mem>>) src(%dma_wait3A_147 : memref<16x2048xf32, #tpu.memory_space<vmem>>) dst(%dma_wait3A_150 : memref<32768x2048xf32, #tpu.memory_space<hbm>>)
        } else {
        }
        %add3A_108 = arith.addi %scan3A_79, %reduce_sum3A_96 : i32
        scf.yield %add3A_108 : i32
      }
      %scan3A_77 = arith.constant 64 : i32
    } else {
    }
    return
  }
}

</mosaic_0001>

<sc_bundles>
// kernel: kernel.3.cloned.1.call-start
scs
__scs_entry_jumppad:
0x0: {  	(pc) =	sbr.rel $0x88, $3  }
0x1: {  	(tag) =	ssettag $0x0;
	lr =	simm.s32 $0x1  }
0x2: {  	[smem:$0x3F9E] =	sst lr;
	_ =	strace $0xD0000000  }
0x3: {  	_ = 	snop  }
0x4: {  	_ = 	snop  }
0x5: {  	_ = 	snop  }
0x6: {  	_ = 	snop  }
0x7: {  	_ = 	snop  }
__scs_overlays_trampoline_lowered:
0x8: {  	[smem:$0x3FAD] =	sst s0  }
0x9: {  	[smem:$0x3FAE] =	sst s1  }
0xa: {  	[smem:$0x3FAF] =	sst s2  }
0xb: {  	[smem:$0x3FB0] =	sst s3  }
0xc: {  	[smem:$0x3FB1] =	sst s4  }
0xd: {  	[smem:$0x3FB2] =	sst s5  }
0xe: {  	[smem:$0x3FB3] =	sst s6  }
0xf: {  	[smem:$0x3FB4] =	sst s7  }
0x10: {  	[smem:$0x3FB5] =	sst s8  }
0x11: {  	[smem:$0x3FB6] =	sst s9;
	s0 =	simm.s32 @!p0 $0x0  }
0x12: {  	s1 =	sld [smem:$0x3F9C];
	s0 =	simm.s32 @p0 $0x1  }
0x13: {  	[smem:$0x3FB7] =	sst s0;
	s0 =	simm.s32 @!p1 $0x0  }
0x14: {  	s2 =	sld [smem:$0x3F9B];
	s0 =	simm.s32 @p1 $0x1  }
0x15: {  	[smem:$0x3FB8] =	sst s0;
	s0 =	simm.s32 @!p2 $0x0  }
0x16: {  	s3 =	sld [smem:$0x3FDB];
	s0 =	simm.s32 @p2 $0x1  }
0x17: {  	s4 =	simm.s32 $0x1BF5;
	[smem:$0x3FBA] =	sst s0  }
0x18: {  	s0 =	sld [smem:$0x3F9D];
	_ =	swait.ge [sflag:s4], $0x0  }
0x19: {  	s7 =	sld [smem:$0x3F9E]  }
0x1a: {  	s8 =	sadd.s32 $0xFFFFE003, lr  }
0x1b: {  	s9 =	sadd.s32 $0xFFFFFEF7, lr;
	s5 =	simm.s32 $0xFFFFFFFF;
	p2 =	slt.u32 s8, $0xFFFFF086  }
0x1c: {  	p1 =	slt.u32 s9, $0xF7A;
	s5 =	simm.s32 @!p2 $0x0  }
0x1d: {  	s5 =	simm.s32 @p1 $0x1;
	p0 =	seq.s32 s7, s2  }
0x1e: {  	s7 =	smul.u32 @!p0 $0xF7A, s2;
	p2 =	seq.s32 @!p0 s5, $0x0  }
0x1f: {  	s9 =	smul.u32 $0xF7A, s1;
	s8 =	simm.s32 @!p0 $0x1BF5;
	p2 =	por !p2, p0  }
0x20: {  	[sflag:s8] =	ssyncset.s32 @!p0 $0xFFFFF086;
	s6 =	sadd.s32 @!p0 s3, s7;
	s7 =	simm.s32 @!p0 $0x108  }
0x21: {  	s3 =	sadd.s32 s3, s9;
	s6 =	sadd.s32 @!p0 $0x88, s6;
	s7 =	simm.s32 @p2 $0x1082  }
0x22: {  	[simem:s7], [sflag:s8] =	dma.local @!p0 [hbm:s6], $0xF7A  }
0x23: {  	s9 =	sor.u32 $0xD0000000, s2;
	s6 =	simm.s32 $0x108;
	_ =	swait.ge @!p0 [sflag:s8], $0x0  }
0x24: {  	s3 =	sadd.s32 $0x88, s3;
	s6 =	simm.s32 @!p1 $0x1082;
	[sflag:s4] =	ssyncset.s32 $0xFFFFF086  }
0x25: {  	[simem:s6], [sflag:s4] =	dma.local [hbm:s3], $0xF7A  }
0x26: {  	[smem:$0x3F9E] =	sst s1;
	(tag) =	ssettag s2;
	_ =	strace s9  }
0x27: {  	s1 =	sld [smem:$0x3FAE]  }
0x28: {  	s2 =	sld [smem:$0x3FAF]  }
0x29: {  	s4 =	sld [smem:$0x3FB1]  }
0x2a: {  	p0 =	seq.s32 s5, $0x0;
	s5 =	sld [smem:$0x3FB2]  }
0x2b: {  	s6 =	sld [smem:$0x3FB3]  }
0x2c: {  	s7 =	sld [smem:$0x3FB4]  }
0x2d: {  	s3 =	simm.s32 $0x108;
	s8 =	sld [smem:$0x3FB5]  }
0x2e: {  	s3 =	simm.s32 @!p0 $0x1082;
	s9 =	sld [smem:$0x3FB6]  }
0x2f: {  	lr =	sadd.s32 s0, s3;
	s0 =	sld [smem:$0x3FAD]  }
0x30: {  	s3 =	sld [smem:$0x3FB0]  }
0x31: {  	[smem:$0x3FB9] =	sst s10  }
0x32: {  	s10 =	sld [smem:$0x3FB7];
	_ =	sdelay $0x3  }
0x33: {  	p0 =	seq.s32 s10, $0x1;
	s10 =	sld [smem:$0x3FB9];
	_ =	sdelay $0x3  }
0x34: {  	[smem:$0x3FB9] =	sst s10  }
0x35: {  	s10 =	sld [smem:$0x3FB8];
	_ =	sdelay $0x3  }
0x36: {  	p1 =	seq.s32 s10, $0x1;
	s10 =	sld [smem:$0x3FB9];
	_ =	sdelay $0x3  }
0x37: {  	[smem:$0x3FB9] =	sst s10  }
0x38: {  	s10 =	sld [smem:$0x3FBA]  }
0x39: {  	_ = 	snop;
	(pc) =	sbr.ind lr, $3  }
0x3a: {  	_ = 	snop  }
0x3b: {  	_ = 	snop  }
0x3c: {  	p2 =	seq.s32 s10, $0x1;
	s10 =	sld [smem:$0x3FB9]  }
0x3d: {  	_ =	shalt  }
0x3e: {  	_ =	shalt  }
0x3f: {  	_ =	shalt  }
0x40: {  	_ =	shalt  }
0x41: {  	_ =	shalt  }
0x42: {  	_ =	shalt  }
0x43: {  	_ =	shalt  }
0x44: {  	_ =	shalt  }
0x45: {  	_ =	shalt  }
0x46: {  	_ =	shalt  }
0x47: {  	_ =	shalt  }
0x48: {  	_ =	shalt  }
0x49: {  	_ =	shalt  }
0x4a: {  	_ =	shalt  }
0x4b: {  	_ =	shalt  }
0x4c: {  	_ =	shalt  }
0x4d: {  	_ =	shalt  }
0x4e: {  	_ =	shalt  }
0x4f: {  	_ =	shalt  }
0x50: {  	_ =	shalt  }
0x51: {  	_ =	shalt  }
0x52: {  	_ =	shalt  }
0x53: {  	_ =	shalt  }
0x54: {  	_ =	shalt  }
0x55: {  	_ =	shalt  }
0x56: {  	_ =	shalt  }
0x57: {  	_ =	shalt  }
0x58: {  	_ =	shalt  }
0x59: {  	_ =	shalt  }
0x5a: {  	_ =	shalt  }
0x5b: {  	_ =	shalt  }
0x5c: {  	_ =	shalt  }
0x5d: {  	_ =	shalt  }
0x5e: {  	_ =	shalt  }
0x5f: {  	_ =	shalt  }
0x60: {  	_ =	shalt  }
0x61: {  	_ =	shalt  }
0x62: {  	_ =	shalt  }
0x63: {  	_ =	shalt  }
0x64: {  	_ =	shalt  }
0x65: {  	_ =	shalt  }
0x66: {  	_ =	shalt  }
0x67: {  	_ =	shalt  }
0x68: {  	_ =	shalt  }
0x69: {  	_ =	shalt  }
0x6a: {  	_ =	shalt  }
0x6b: {  	_ =	shalt  }
0x6c: {  	_ =	shalt  }
0x6d: {  	_ =	shalt  }
0x6e: {  	_ =	shalt  }
0x6f: {  	_ =	shalt  }
0x70: {  	_ =	shalt  }
0x71: {  	_ =	shalt  }
0x72: {  	_ =	shalt  }
0x73: {  	_ =	shalt  }
0x74: {  	_ =	shalt  }
0x75: {  	_ =	shalt  }
0x76: {  	_ =	shalt  }
0x77: {  	_ =	shalt  }
0x78: {  	_ =	shalt  }
0x79: {  	_ =	shalt  }
0x7a: {  	_ =	shalt  }
0x7b: {  	_ =	shalt  }
0x7c: {  	_ =	shalt  }
0x7d: {  	_ =	shalt  }
0x7e: {  	_ =	shalt  }
0x7f: {  	_ =	shalt  }
0x80: {  	_ =	shalt  }
0x81: {  	_ =	shalt  }
0x82: {  	_ =	shalt  }
0x83: {  	_ =	shalt  }
0x84: {  	_ =	shalt  }
0x85: {  	_ =	shalt  }
0x86: {  	_ =	shalt  }
0x87: {  	_ =	shalt  }
.Lfunc_end0:
.L_simem_size_0:
called_computation_lowered:
.L_overlay_start_0:
0x88: {  	s2 =	sld [smem:$0x3FD9]  }
0x89: {  	s3 =	sld [smem:$0x3FFE];
	_ =	sdelay $0x1  }
0x8a: {  	s1 =	srdreg.scid  }
0x8b: {  	s0 =	sand.u32 $0x1, s1  }
0x8c: {  	s18 =	sshll.u32 s0, $0xA;
	s2 =	sadd.s32 s3, s2  }
0x8d: {  	s2 =	sadd.s32 s2, s18  }
0x8e: {  	[smem:$0x3FC5] =	sst s2  }
0x8f: {  	_ = 	snop  }
0x90: {  	s2 =	sld [smem:$0x3FC9]  }
0x91: {  	s19 =	sld [smem:$0x3FC8]  }
0x92: {  	s4 =	sld [smem:$0x3FC7]  }
0x93: {  	s5 =	sld [smem:$0x3FD0];
	(tm) =	ssettm $0x1  }
0x94: {  	s6 =	sld [smem:$0x3FFB];
	_ =	sdelay $0x3  }
0x95: {  	_ =	strace s6  }
0x96: {  	s6 =	sld [smem:$0x3FFC];
	_ =	sdelay $0x3  }
0x97: {  	_ =	strace s6  }
0x98: {  	s6 =	sld [smem:$0x3FFD];
	_ =	sdelay $0x3  }
0x99: {  	_ =	strace s6  }
0x9a: {  	_ =	strace $0x8FFFFFFF  }
0x9b: {  	s20 =	sld [smem:$0x3FDB];
	_ =	sdelay $0x1  }
0x9c: {  	s7 =	simm.s32 $_scs_section_size  }
0x9d: {  	s8 =	simm.s32 $_size__tile_overlayer_lowered;
	s9 =	simm.s32 $_tile_overlayer_lowered  }
0x9e: {  	s23 =	simm.s32 $0x1BFF;
	s22 =	sshll.u32 s9, $0x1;
	s6 =	sadd.s32 s7, s20  }
0x9f: {  	s10 =	simm.s32 $0x0;
	s21 =	sshll.u32 s8, $0x1;
	s8 =	sadd.s32 s22, s6  }
0xa0: {  	[timem:s10], [sflag:s23] =	dma.local [hbm:s8], s21  }
0xa1: {  	_ =	swait.ge [sflag:s23], s21  }
0xa2: {  	s7 =	ssub.s32 $0x0, s21;
	[sflag:s23] =	ssyncset.done $0x0  }
0xa3: {  	[sflag:s23] =	ssyncadd.s32 s7;
	_ =	sdelay $0x1  }
0xa4: {  	s24 =	simm.s32 $0x1B8B  }
0xa5: {  	_ =	swait.ge [sflag:s24], $0x1  }
0xa6: {  	[sflag:s24] =	ssyncset.done $0x0  }
0xa7: {  	s25 =	simm.s32 $0x1B8E;
	[sflag:s24] =	ssyncadd.s32 $0xFFFFFFFF  }
0xa8: {  	s26 =	simm.s32 $execute0_lowered;
	[smem:$0x3FD2] =	sst s25  }
0xa9: {  	s7 =	sshll.u32 s26, $0x1;
	_ =	strace $0x80000046;
	[dreg:$0x1] =	wrdreg $0xFFFFFFFF  }
0xaa: {  	s28 =	simm.s32 $_size_execute0_lowered;
	s6 =	sadd.s32 s6, s7;
	[dreg:$0x0] =	wrdreg $0x0  }
0xab: {  	s7 =	sshll.u32 s28, $0x1;
	[dreg:$0x2] =	wrdreg s6  }
0xac: {  	[dreg:$0x3] =	wrdreg s7  }
0xad: {  	[dreg:$0x4] =	wrdreg $0xC0  }
0xae: {  	_ =	task [dreg:s10], $0x5FFFF  }
0xaf: {  	[dreg:$0x1] =	wrdreg $0xFFFFFFFF  }
0xb0: {  	[dreg:$0x0] =	wrdreg $0x60  }
0xb1: {  	[dreg:$0x2] =	wrdreg s2  }
0xb2: {  	[dreg:$0x3] =	wrdreg s19  }
0xb3: {  	[dreg:$0x4] =	wrdreg s4  }
0xb4: {  	[dreg:$0x5] =	wrdreg s5  }
0xb5: {  	[dreg:$0x6] =	wrdreg $0x9  }
0xb6: {  	_ =	task.clear_ibuf [dreg:s10], $0x7FFFF;
	_ =	strace $0x90000046  }
0xb7: {  	s29 =	simm.s32 $0x9;
	_ =	strace $0x80000048  }
0xb8: {  	_ =	swait.ge [sflag:s29], $0x1  }
0xb9: {  	[sflag:s29] =	ssyncadd.s32 $0xFFFFFFFF  }
0xba: {  	_ =	strace $0x90000048  }
0xbb: {  	_ =	sfence  }
0xbc: {  	s30 =	sld [smem:$0x0];
	_ =	sdelay $0x2  }
0xbd: {  	s31 =	sshll.u32 s1, $0xD;
	s1 =	sshrl.u32 s1, $0x2  }
0xbe: {  	s3 =	sand.u32 $0x4000, s31;
	s1 =	sadd.s32 s1, s30  }
0xbf: {  	s0 =	sor.u32 s3, s0;
	s1 =	sshll.u32 s1, $0x11  }
0xc0: {  	s0 =	sor.u32 s1, s0  }
0xc1: {  	s0 =	sadd.s32 $0x8F2B, s0  }
0xc2: {  	[sflag:s0] =	ssyncadd.remote.s32 $0x1  }
0xc3: {  	_ =	sfence.sel $0xFFFF  }
0xc4: {  	[dreg:$0x0] =	wrdreg $0xFFFFFFFF;
	(pc) =	sbr.abs _section_cstart, $3  }
0xc5: {  	[dreg:$0x1] =	wrdreg $0xFFFFFFFF  }
0xc6: {  	_ =	task.clear_ibuf [dreg:s10], $0x2FFFF;
	_ =	strace $0x9FFFFFFF  }
0xc7: {  	(tm) =	ssettm $0x7FFFFFFF  }
tec
execute0_lowered:
.L_overlay_start_1:
0x0: {  	(tag) =	ssettag $0x1  }
0x1: {  	s0 =	rddreg [dreg:$0x0]  }
0x2: {  	s2 =	rddreg [dreg:$0x2]  }
0x3: {  	s9 =	rddreg [dreg:$0x3];
	s4 =	simm.s32 $0x0;
	s1 =	srdreg.scid  }
0x4: {  	s8 =	stileid.u32;
	[smem:$0x7FF] =	sst s4;
	s23 =	sadd.s32 $0x100, s2  }
0x5: {  	s24 =	sadd.s32 $0x200, s2;
	_ =	strace $0x80000047;
	[dreg:$0x6] =	wrdreg s23  }
0x6: {  	s28 =	simm.s32 $0x13000;
	s25 =	sadd.s32 $0x300, s2;
	[dreg:$0x7] =	wrdreg s24  }
0x7: {  	s29 =	simm.s32 $0x15000;
	s26 =	sadd.s32 $0x400, s2;
	[dreg:$0x8] =	wrdreg s25  }
0x8: {  	s30 =	simm.s32 $0x15800;
	s11 =	sadd.s32 $0x700, s2;
	[dreg:$0x9] =	wrdreg s26  }
0x9: {  	s31 =	simm.s32 $0x16000;
	s12 =	sadd.s32 $0x100, s9;
	[dreg:$0xc] =	wrdreg s11  }
0xa: {  	s1 =	sand.u32 $0x1, s1;
	s13 =	sadd.s32 $0x200, s9;
	[dreg:$0xd] =	wrdreg s12  }
0xb: {  	s6 =	sshll.u32 s8, $0xB;
	s14 =	sadd.s32 $0x300, s9;
	[dreg:$0xe] =	wrdreg s13  }
0xc: {  	s15 =	sadd.s32 $0x400, s9;
	s16 =	sadd.s32 $0x500, s9;
	[dreg:$0xf] =	wrdreg s14  }
0xd: {  	s17 =	sadd.s32 $0x600, s9;
	s18 =	sshll.u32 s8, $0xD;
	[dreg:$0x10] =	wrdreg s15  }
0xe: {  	s20 =	sshll.u32 s8, $0x13;
	s8 =	simm.s32 $0x0;
	[dreg:$0x14] =	wrdreg s16  }
0xf: {  	s3 =	ssub.s32 $0x2, s1;
	s7 =	sshll.u32 s1, $0xA;
	[dreg:$0x15] =	wrdreg s17  }
0x10: {  	s19 =	sshll.u32 s1, $0xC;
	s21 =	sadd.s32 s20, s9;
	s1 =	sshll.u32 s1, $0x12  }
0x11: {  	s0 =	sadd.s32 s20, s0;
	s23 =	sadd.s32 $0x700, s9;
	s13 =	simm.s32 $0x8000  }
0x12: {  	s11 =	simm.s32 $0x14000;
	s12 =	simm.s32 $0x3;
	s14 =	simm.s32 $0x4  }
0x13: {  	s15 =	simm.s32 $0x6;
	s16 =	simm.s32 $0x7;
	s17 =	simm.s32 $0x8  }
0x14: {  	s5 =	sshrl.u32 s3, $0x1;
	s10 =	sor.u32 s7, s6;
	s6 =	sadd.s32 $0x500, s2  }
0x15: {  	s7 =	sadd.s32 $0x600, s2;
	s20 =	sadd.s32 s1, s21;
	s0 =	sadd.s32 s1, s0  }
0x16: {  	[dreg:$0x16] =	wrdreg s23;
	s1 =	simm.s32 $0x5;
	s23 =	simm.s32 $0x10000  }
0x17: {  	s3 =	ssub.s32 s3, s5;
	[dreg:$0xa] =	wrdreg s6;
	s22 =	sshrl.u32 s10, $0x7  }
0x18: {  	[dreg:$0xb] =	wrdreg s7;
	s5 =	sor.u32 s19, s18;
	s24 =	smax.u32 s22, $0x1  }
0x19: {  	[dreg:$0x11] =	wrdreg s0;
	s26 =	sor.u32 $0x100, s5;
	s0 =	sshll.u32 s24, $0x9  }
0x1a: {  	s21 =	simm.s32 $0x17800;
	[dreg:$0x13] =	wrdreg s0;
	s0 =	sshrl.u32 s26, $0x2  }
.Ltmp0:
0x1b: {  	[dreg:$0x5] =	wrdreg s10;
	p0 =	seq.s32 s10, $0x0;
	v0 =	vmov s0;
	(pc) =	sbr.rel .LBB2_1-.Ltmp0, $4  }
0x1c: {  	s7 =	simm.s32 $0x10000;
	[dreg:$0x17] =	wrdreg s20;
	s19 =	simm.s32 $0x11000  }
0x1d: {  	v1 =	vimm.s32 $0x0;
	v2 =	vlaneseq.u32;
	s25 =	smax.u32 s3, $0x1;
	s3 =	simm.s32 $0x1;
	s5 =	simm.s32 $0x2  }
0x1e: {  	vm0 =	vmmov $0xffff;
	v3 =	vor.u32 $0x80000000, v2;
	v5 =	vshrl.u32 v2, $0x3;
	s22 =	simm.s32 $0x11800;
	[dreg:$0x12] =	wrdreg s25;
	s24 =	simm.s32 $0x12800  }
0x1f: {  	v4 =	vand.u32 $0x7, v2;
	v6 =	vor.u32 $0x8, v2;
	v5 =	vmul.u32 $0x8, v5;
	s25 =	simm.s32 $0x14000;
	s26 =	simm.s32 $0x13800;
	s0 =	simm.s32 $0xC000  }
.LBB2_17:
0x20: {  	_ =	swait.ge [sflag:s15], $0x4000  }
0x21: {  	[sflag:s15] =	ssyncset.done $0x0  }
0x22: {  	[sflag:s15] =	ssyncadd.s32 $0xFFFFC000  }
0x23: {  	_ =	swait.ge [sflag:s16], $0x4000  }
0x24: {  	[sflag:s16] =	ssyncset.done $0x0  }
0x25: {  	[sflag:s16] =	ssyncadd.s32 $0xFFFFC000  }
0x26: {  	_ =	swait.ge [sflag:s17], $0x4000  }
0x27: {  	[sflag:s17] =	ssyncset.done $0x0  }
0x28: {  	[sflag:s17] =	ssyncadd.s32 $0xFFFFC000  }
.LBB2_18:
0x29: {  	s8 =	rddreg [dreg:$0x18]  }
0x2a: {  	s6 =	rddreg [dreg:$0x12];
	s8 =	sadd.s32 $0x1, s8  }
0x2b: {  	p1 =	sne.s32 s8, s6  }
.Ltmp1:
0x2c: {  	_ = 	snop;
	(pc) =	sbr.rel @!p1 .LBB2_19-.Ltmp1, $4  }
0x2d: {  	_ = 	snop  }
0x2e: {  	s20 =	rddreg [dreg:$0x17]  }
0x2f: {  	s7 =	simm.s32 $0x10000;
	s11 =	simm.s32 $0x14000;
	s3 =	simm.s32 $0x1  }
0x30: {  	s0 =	simm.s32 $0xC000;
	s5 =	simm.s32 $0x2;
	s12 =	simm.s32 $0x3  }
.LBB2_1:
0x31: {  	[dreg:$0x18] =	wrdreg s8  }
.Ltmp2:
0x32: {  	s6 =	rddreg [dreg:$0x1];
	s18 =	simm.s32 $0x9;
	(pc) =	sbr.rel @p0 .LBB2_7-.Ltmp2, $4  }
0x33: {  	[tilespmem:s4], [sflag:$0x9] =	stream.linear.gather [hbm4b:s6+s4], $0x8000, $0x38;
	[tilespmem:$0x18100] =	vst v63  }
0x34: {  	_ =	swait.ge [sflag:s18], $0x8000  }
0x35: {  	[sflag:s18] =	ssyncset.done $0x0  }
0x36: {  	v7 =	vimm.s32 $0x0;
	s6 =	simm.s32 $0x40;
	[sflag:s18] =	ssyncadd.s32 $0xFFFF8000  }
0x37: {  	s8 =	rddreg [dreg:$0x13]  }
0x38: {  	p2 =	sne.s32 s8, $0x200  }
.Ltmp3:
0x39: {  	_ = 	snop;
	(pc) =	sbr.rel @!p2 .LBB2_3-.Ltmp3, $2  }
0x3a: {  	_ =	sdelay $0x2  }
0x3b: {  	v7 =	vld [tilespmem:s6+$0xFFFFFFC0];
	p1 =	por $0x0, $0x0;
	s8 =	sadd.s32 $0xFFFFFE00, s8  }
0x3c: {  	v11 =	vld [tilespmem:s6+$0xFFFFFFD0]  }
0x3d: {  	v12 =	vld [tilespmem:s6+$0xFFFFFFE0]  }
0x3e: {  	v14 =	vld [tilespmem:s6+$0xFFFFFFF0];
	p2 =	sne.s32 s8, $0x200  }
.Ltmp4:
0x3f: {  	v10 =	vld [tilespmem:s6+$0x0];
	(pc) =	sbr.rel @!p2 .LBB2_6-.Ltmp4, $4  }
0x40: {  	v8 =	vld [tilespmem:s6+$0x10];
	vm1 =	veq.s32 v7, $0x0  }
0x41: {  	v9 =	vld [tilespmem:s6+$0x20];
	v7 =	vsel vm1, $0x1, v1;
	vm1 =	veq.s32 v11, $0x0  }
0x42: {  	v11 =	vld [tilespmem:s6+$0x30];
	s6 =	sadd.s32 $0x80, s6;
	v13 =	vadd.s32 v7, v1;
	v15 =	vsel vm1, $0x1, v1;
	vm1 =	veq.s32 v12, $0x0  }
0x43: {  	s8 =	sadd.s32 $0xFFFFFE00, s8;
	p1 =	por $0x1, $0x1;
	v7 =	vld [tilespmem:s6+$0xFFFFFFC0];
	v12 =	vadd.s32 v15, v13;
	v13 =	vsel vm1, $0x1, v1;
	vm1 =	veq.s32 v14, $0x0  }
.LBB2_5:
0x44: {  	p2 =	sne.s32 s8, $0x200;
	v14 =	vld [tilespmem:s6+$0xFFFFFFD0];
	v12 =	vadd.s32 v13, v12;
	v13 =	vsel vm1, $0x1, v1;
	vm1 =	veq.s32 v10, $0x0  }
0x45: {  	v15 =	vld [tilespmem:s6+$0xFFFFFFE0];
	v10 =	vadd.s32 v13, v12;
	v12 =	vsel vm1, $0x1, v1;
	vm1 =	veq.s32 v8, $0x0  }
0x46: {  	v16 =	vld [tilespmem:s6+$0xFFFFFFF0];
	v8 =	vadd.s32 v12, v10;
	v12 =	vsel vm1, $0x1, v1;
	vm1 =	veq.s32 v9, $0x0  }
.Ltmp5:
0x47: {  	v10 =	vld [tilespmem:s6+$0x0];
	v9 =	vadd.s32 v12, v8;
	v12 =	vsel vm1, $0x1, v1;
	vm1 =	veq.s32 v11, $0x0;
	(pc) =	sbr.rel @p2 .LBB2_5-.Ltmp5, $4  }
0x48: {  	vm2 =	veq.s32 v7, $0x0;
	v8 =	vld [tilespmem:s6+$0x10];
	v7 =	vadd.s32 v12, v9;
	v11 =	vsel vm1, $0x1, v1  }
0x49: {  	v12 =	vsel vm2, $0x1, v1;
	vm1 =	veq.s32 v14, $0x0;
	v9 =	vld [tilespmem:s6+$0x20];
	v7 =	vadd.s32 v11, v7  }
0x4a: {  	v12 =	vadd.s32 v12, v7;
	v13 =	vsel vm1, $0x1, v1;
	vm1 =	veq.s32 v15, $0x0;
	v11 =	vld [tilespmem:s6+$0x30];
	s6 =	sadd.s32 $0x80, s6  }
0x4b: {  	s8 =	sadd.s32 $0xFFFFFE00, s8;
	v7 =	vld [tilespmem:s6+$0xFFFFFFC0];
	v12 =	vadd.s32 v13, v12;
	v13 =	vsel vm1, $0x1, v1;
	vm1 =	veq.s32 v16, $0x0  }
.LBB2_6:
0x4c: {  	v12 =	vadd.s32 @p1 v13, v12;
	v13 =	vsel @p1 vm1, $0x1, v1;
	vm1 =	veq.s32 @p1 v10, $0x0  }
0x4d: {  	v53 =	vld [tilespmem:s6+$0xFFFFFFD0];
	v12 =	vadd.s32 @p1 v13, v12;
	v13 =	vsel @p1 vm1, $0x1, v1;
	vm1 =	veq.s32 @p1 v8, $0x0  }
0x4e: {  	v8 =	vld [tilespmem:s6+$0xFFFFFFE0];
	v12 =	vadd.s32 @p1 v13, v12;
	v13 =	vsel @p1 vm1, $0x1, v1;
	vm1 =	veq.s32 @p1 v9, $0x0  }
0x4f: {  	v54 =	vld [tilespmem:s6+$0xFFFFFFF0];
	v12 =	vadd.s32 @p1 v13, v12;
	v13 =	vsel @p1 vm1, $0x1, v1;
	vm1 =	veq.s32 @p1 v11, $0x0  }
0x50: {  	v55 =	vld [tilespmem:s6+$0x0];
	v12 =	vadd.s32 @p1 v13, v12;
	v13 =	vsel @p1 vm1, $0x1, v1  }
0x51: {  	vm1 =	veq.s32 v7, $0x0;
	v7 =	vld [tilespmem:s6+$0x10];
	v12 =	vadd.s32 @p1 v13, v12  }
0x52: {  	v57 =	vld [tilespmem:s6+$0x20];
	v56 =	vsel vm1, $0x1, v1;
	vm1 =	veq.s32 v53, $0x0;
	v12 =	vpsel p1, v12, v1  }
0x53: {  	v58 =	vsel vm1, $0x1, v1;
	vm1 =	veq.s32 v8, $0x0;
	v8 =	vld [tilespmem:s6+$0x30];
	v12 =	vadd.s32 v56, v12  }
0x54: {  	v59 =	vsel vm1, $0x1, v1;
	vm1 =	veq.s32 v54, $0x0;
	v12 =	vadd.s32 v58, v12  }
0x55: {  	v61 =	vsel vm1, $0x1, v1;
	vm1 =	veq.s32 v55, $0x0;
	v60 =	vadd.s32 v59, v12  }
0x56: {  	v11 =	vsel vm1, $0x1, v1;
	vm1 =	veq.s32 v7, $0x0;
	v9 =	vadd.s32 v61, v60  }
0x57: {  	v62 =	vsel vm1, $0x1, v1;
	vm1 =	veq.s32 v57, $0x0;
	v7 =	vadd.s32 v11, v9  }
0x58: {  	v63 =	vsel vm1, $0x1, v1;
	vm1 =	veq.s32 v8, $0x0;
	v7 =	vadd.s32 v62, v7  }
0x59: {  	v8 =	vsel vm1, $0x1, v1;
	v7 =	vadd.s32 v63, v7  }
0x5a: {  	v7 =	vadd.s32 v8, v7  }
.LBB2_7:
0x5b: {  	_ =	sdelay $0x2  }
0x5c: {  	s9 =	simm.s32 $0x0  }
0x5d: {  	v8 =	vld.idx.msk [tilespmem:v0+s9+$0xFFFFFFC0 ss:$0x1], $0xffff  }
0x5e: {  	v10 =	vld.idx.msk [tilespmem:v0+s9+$0xFFFFFFD0 ss:$0x1], $0xffff  }
0x5f: {  	v13 =	vld.idx.msk [tilespmem:v0+s9+$0xFFFFFFE0 ss:$0x1], $0xffff  }
0x60: {  	v12 =	vld.idx.msk [tilespmem:v0+s9+$0xFFFFFFF0 ss:$0x1], $0xffff  }
0x61: {  	v11 =	vld.idx.msk [tilespmem:v0+s9+$0x0 ss:$0x1], $0xffff  }
0x62: {  	v9 =	vld.idx.msk [tilespmem:v0+s9+$0x10 ss:$0x1], $0xffff  }
0x63: {  	vm1 =	veq.s32 v8, $0x0;
	v8 =	vld.idx.msk [tilespmem:v0+s9+$0x20 ss:$0x1], $0xffff  }
0x64: {  	v15 =	vimm.s32 $0x0;
	s6 =	simm.s32 $0x80;
	s8 =	simm.s32 $0x400;
	v14 =	vsel vm1, $0x1, v1;
	vm1 =	veq.s32 v10, $0x0;
	v10 =	vld.idx.msk [tilespmem:v0+s9+$0x30 ss:$0x1], $0xffff  }
.LBB2_8:
0x65: {  	p1 =	sne.s32 s8, $0xE00;
	v16 =	vld.idx.msk [tilespmem:v0+s6+$0xFFFFFFC0 ss:$0x1], $0xffff;
	v14 =	vadd.s32 v14, v15;
	v15 =	vsel vm1, $0x1, v1;
	vm1 =	veq.s32 v13, $0x0  }
0x66: {  	v17 =	vld.idx.msk [tilespmem:v0+s6+$0xFFFFFFD0 ss:$0x1], $0xffff;
	v14 =	vadd.s32 v15, v14;
	v15 =	vsel vm1, $0x1, v1;
	vm1 =	veq.s32 v12, $0x0  }
0x67: {  	v13 =	vld.idx.msk [tilespmem:v0+s6+$0xFFFFFFE0 ss:$0x1], $0xffff;
	v14 =	vadd.s32 v15, v14;
	v15 =	vsel vm1, $0x1, v1;
	vm1 =	veq.s32 v11, $0x0  }
.Ltmp6:
0x68: {  	v12 =	vld.idx.msk [tilespmem:v0+s6+$0xFFFFFFF0 ss:$0x1], $0xffff;
	v14 =	vadd.s32 v15, v14;
	v15 =	vsel vm1, $0x1, v1;
	vm1 =	veq.s32 v9, $0x0;
	(pc) =	sbr.rel @p1 .LBB2_8-.Ltmp6, $4  }
0x69: {  	v11 =	vld.idx.msk [tilespmem:v0+s6+$0x0 ss:$0x1], $0xffff;
	v14 =	vadd.s32 v15, v14;
	v15 =	vsel vm1, $0x1, v1;
	vm1 =	veq.s32 v8, $0x0  }
0x6a: {  	v9 =	vld.idx.msk [tilespmem:v0+s6+$0x10 ss:$0x1], $0xffff;
	v14 =	vadd.s32 v15, v14;
	v15 =	vsel vm1, $0x1, v1;
	vm1 =	veq.s32 v10, $0x0  }
0x6b: {  	vm2 =	veq.s32 v16, $0x0;
	v8 =	vld.idx.msk [tilespmem:v0+s6+$0x20 ss:$0x1], $0xffff;
	v15 =	vadd.s32 v15, v14;
	v16 =	vsel vm1, $0x1, v1  }
0x6c: {  	v14 =	vsel vm2, $0x1, v1;
	vm1 =	veq.s32 v17, $0x0;
	v10 =	vld.idx.msk [tilespmem:v0+s6+$0x30 ss:$0x1], $0xffff;
	s6 =	sshra.s32 s8, $0x2;
	s8 =	sadd.s32 $0x200, s8;
	v15 =	vadd.s32 v16, v15  }
0x6d: {  	_ =	sdelay $0x2  }
0x6e: {  	v14 =	vadd.s32 v14, v15;
	v39 =	vsel vm1, $0x1, v1;
	vm1 =	veq.s32 v13, $0x0  }
0x6f: {  	v40 =	vld.idx.msk [tilespmem:v0+s6+$0xFFFFFFC0 ss:$0x1], $0xffff;
	v14 =	vadd.s32 v39, v14;
	v41 =	vsel vm1, $0x1, v1;
	vm1 =	veq.s32 v12, $0x0  }
0x70: {  	v42 =	vld.idx.msk [tilespmem:v0+s6+$0xFFFFFFD0 ss:$0x1], $0xffff;
	v14 =	vadd.s32 v41, v14;
	v43 =	vsel vm1, $0x1, v1;
	vm1 =	veq.s32 v11, $0x0  }
0x71: {  	v44 =	vld.idx.msk [tilespmem:v0+s6+$0xFFFFFFE0 ss:$0x1], $0xffff;
	v14 =	vadd.s32 v43, v14;
	v45 =	vsel vm1, $0x1, v1;
	vm1 =	veq.s32 v9, $0x0  }
0x72: {  	v46 =	vld.idx.msk [tilespmem:v0+s6+$0xFFFFFFF0 ss:$0x1], $0xffff;
	v14 =	vadd.s32 v45, v14;
	v47 =	vsel vm1, $0x1, v1;
	vm1 =	veq.s32 v8, $0x0  }
0x73: {  	v8 =	vld.idx.msk [tilespmem:v0+s6+$0x0 ss:$0x1], $0xffff;
	v14 =	vadd.s32 v47, v14;
	v48 =	vsel vm1, $0x1, v1;
	vm1 =	veq.s32 v10, $0x0  }
0x74: {  	v49 =	vld.idx.msk [tilespmem:v0+s6+$0x10 ss:$0x1], $0xffff;
	vm2 =	veq.s32 v40, $0x0;
	v50 =	vadd.s32 v48, v14;
	v51 =	vsel vm1, $0x1, v1  }
0x75: {  	v52 =	vld.idx.msk [tilespmem:v0+s6+$0x20 ss:$0x1], $0xffff;
	v16 =	vsel vm2, $0x1, v1;
	vm1 =	veq.s32 v42, $0x0;
	v53 =	vadd.s32 v51, v50  }
0x76: {  	v54 =	vld.idx.msk [tilespmem:v0+s6+$0x30 ss:$0x1], $0xffff;
	v55 =	vsel vm1, $0x1, v1;
	vm1 =	veq.s32 v44, $0x0;
	v12 =	vadd.s32 v16, v53  }
0x77: {  	v57 =	vsel vm1, $0x1, v1;
	vm1 =	veq.s32 v46, $0x0;
	v56 =	vadd.s32 v55, v12  }
0x78: {  	v59 =	vsel vm1, $0x1, v1;
	vm1 =	veq.s32 v8, $0x0;
	v58 =	vadd.s32 v57, v56  }
0x79: {  	v60 =	vsel vm1, $0x1, v1;
	vm1 =	veq.s32 v49, $0x0;
	v8 =	vadd.s32 v59, v58  }
0x7a: {  	v61 =	vsel vm1, $0x1, v1;
	vm1 =	veq.s32 v52, $0x0;
	v8 =	vadd.s32 v60, v8  }
0x7b: {  	v62 =	vsel vm1, $0x1, v1;
	vm1 =	veq.s32 v54, $0x0;
	v8 =	vadd.s32 v61, v8  }
0x7c: {  	(xrf0) =	vadd.scan.msk.s32 $0xffff, v7;
	v63 =	vsel vm1, $0x1, v1;
	v8 =	vadd.s32 v62, v8  }
0x7d: {  	v7 =	vadd.s32 v63, v8  }
0x7e: {  	(xrf0) =	vadd.scan.msk.s32 $0xffff, v7;
	_ =	sdelay $0x3  }
0x7f: {  	v7, _, _ =	vpop (xrf0)  }
0x80: {  	(v2sf) =	vpush v7, $0xF  }
0x81: {  	v7, _, _ =	vpop (xrf0)  }
0x82: {  	(v2sf) =	vpush v7, $0xF;
	_ =	sdelay $0xc  }
0x83: {  	s6 =	spop (v2sf)  }
0x84: {  	s8 =	sand.u32 $0x7, s6  }
0x85: {  	p1 =	sne.s32 s8, $0x0;
	s9 =	spop (v2sf)  }
0x86: {  	p2 =	sne.s32 @!p1 s9, $0x400  }
0x87: {  	p2 =	por p1, p2  }
.Ltmp7:
0x88: {  	_ = 	snop;
	(pc) =	sbr.rel @p2 .LBB2_10-.Ltmp7, $1  }
0x89: {  	_ =	sdelay $0x3  }
0x8a: {  	s9 =	sshll.u32 s6, $0x8;
	s6 =	sshll.u32 s6, $0xB  }
0x8b: {  	s8 =	simm.s32 $0x0;
	s10 =	sadd.s32 s2, s9;
	s18 =	sadd.s32 $0x4000, s6  }
0x8c: {  	[tilespmem:s13], [sflag:$0x1] =	stream.linear.gather [hbm4b:s10+s8], $0x4000, $0x38;
	[tilespmem:$0x18100] =	vst v63  }
0x8d: {  	s10 =	sshrl.u32 s18, $0x3  }
0x8e: {  	s18 =	sadd.s32 $0x8000, s6;
	s10 =	sadd.s32 s2, s10  }
0x8f: {  	[tilespmem:s0], [sflag:$0x2] =	stream.linear.gather [hbm4b:s10+s8], $0x4000, $0x38;
	[tilespmem:$0x18100] =	vst v63  }
0x90: {  	s6 =	sadd.s32 $0xC000, s6;
	s10 =	sshrl.u32 s18, $0x3  }
0x91: {  	s6 =	sshrl.u32 s6, $0x3;
	s10 =	sadd.s32 s2, s10  }
0x92: {  	[tilespmem:s7], [sflag:$0x3] =	stream.linear.gather [hbm4b:s10+s8], $0x4000, $0x38;
	[tilespmem:$0x18100] =	vst v63  }
0x93: {  	s6 =	sadd.s32 s2, s6  }
0x94: {  	[tilespmem:s11], [sflag:$0x4] =	stream.linear.gather [hbm4b:s6+s8], $0x4000, $0x38;
	[tilespmem:$0x18100] =	vst v63  }
0x95: {  	s6 =	sand.u32 $0xFFFFF800, s9  }
.LBB2_15:
0x96: {  	_ =	swait.ge [sflag:s3], $0x4000  }
0x97: {  	[sflag:s3] =	ssyncset.done $0x0  }
0x98: {  	s9 =	sadd.s32 s8, s20;
	[sflag:s3] =	ssyncadd.s32 $0xFFFFC000  }
0x99: {  	[hbm4b:s9+s4] =	stream.linear.scatter [tilespmem:s13], [sflag:$0x5], $0x4000, $0x38;
	[tilespmem:$0x18100] =	vst v63  }
0x9a: {  	_ =	swait.ge [sflag:s5], $0x4000  }
0x9b: {  	[sflag:s5] =	ssyncset.done $0x0  }
0x9c: {  	s10 =	sadd.s32 $0x800, s9;
	[sflag:s5] =	ssyncadd.s32 $0xFFFFC000  }
0x9d: {  	[hbm4b:s10+s4] =	stream.linear.scatter [tilespmem:s0], [sflag:$0x6], $0x4000, $0x38;
	[tilespmem:$0x18100] =	vst v63  }
0x9e: {  	_ =	swait.ge [sflag:s12], $0x4000  }
0x9f: {  	[sflag:s12] =	ssyncset.done $0x0  }
0xa0: {  	s18 =	sadd.s32 $0x1000, s9;
	[sflag:s12] =	ssyncadd.s32 $0xFFFFC000  }
0xa1: {  	[hbm4b:s18+s4] =	stream.linear.scatter [tilespmem:s7], [sflag:$0x7], $0x4000, $0x38;
	[tilespmem:$0x18100] =	vst v63  }
0xa2: {  	_ =	swait.ge [sflag:s14], $0x4000  }
0xa3: {  	p1 =	seq.s32 s8, $0x3E000;
	[sflag:s14] =	ssyncset.done $0x0  }
.Ltmp8:
0xa4: {  	s9 =	sadd.s32 $0x1800, s9;
	[sflag:s14] =	ssyncadd.s32 $0xFFFFC000;
	(pc) =	sbr.rel @p1 .LBB2_17-.Ltmp8, $4  }
0xa5: {  	[hbm4b:s9+s4] =	stream.linear.scatter [tilespmem:s11], [sflag:$0x8], $0x4000, $0x38;
	[tilespmem:$0x18100] =	vst v63  }
0xa6: {  	_ =	swait.ge [sflag:s1], $0x4000  }
0xa7: {  	[sflag:s1] =	ssyncset.done $0x0  }
0xa8: {  	[sflag:s1] =	ssyncadd.s32 $0xFFFFC000  }
0xa9: {  	s9 =	sadd.s32 s8, s6  }
0xaa: {  	s10 =	sadd.s32 $0x2000, s9  }
0xab: {  	s10 =	sand.u32 $0x1FFFF800, s10  }
0xac: {  	s10 =	sadd.s32 s2, s10  }
0xad: {  	[tilespmem:s13], [sflag:$0x1] =	stream.linear.gather [hbm4b:s10+s4], $0x4000, $0x38;
	[tilespmem:$0x18100] =	vst v63  }
0xae: {  	s18 =	sadd.s32 $0x2800, s9;
	_ =	swait.ge [sflag:s15], $0x4000  }
0xaf: {  	s10 =	sand.u32 $0x1FFFF800, s18;
	[sflag:s15] =	ssyncset.done $0x0  }
0xb0: {  	s10 =	sadd.s32 s2, s10;
	[sflag:s15] =	ssyncadd.s32 $0xFFFFC000  }
0xb1: {  	[tilespmem:s0], [sflag:$0x2] =	stream.linear.gather [hbm4b:s10+s4], $0x4000, $0x38;
	[tilespmem:$0x18100] =	vst v63  }
0xb2: {  	s18 =	sadd.s32 $0x3000, s9;
	_ =	swait.ge [sflag:s16], $0x4000  }
0xb3: {  	s10 =	sand.u32 $0x1FFFF800, s18;
	[sflag:s16] =	ssyncset.done $0x0  }
0xb4: {  	s10 =	sadd.s32 s2, s10;
	[sflag:s16] =	ssyncadd.s32 $0xFFFFC000  }
0xb5: {  	[tilespmem:s7], [sflag:$0x3] =	stream.linear.gather [hbm4b:s10+s4], $0x4000, $0x38;
	[tilespmem:$0x18100] =	vst v63  }
.Ltmp9:
0xb6: {  	_ = 	snop;
	(pc) =	sbr.rel .LBB2_15-.Ltmp9, $4  }
0xb7: {  	s9 =	sadd.s32 $0x3800, s9;
	_ =	swait.ge [sflag:s17], $0x4000  }
0xb8: {  	s9 =	sand.u32 $0x1FFFF800, s9;
	[sflag:s17] =	ssyncset.done $0x0  }
0xb9: {  	s8 =	sadd.s32 $0x2000, s8;
	s9 =	sadd.s32 s2, s9;
	[sflag:s17] =	ssyncadd.s32 $0xFFFFC000  }
0xba: {  	[tilespmem:s11], [sflag:$0x4] =	stream.linear.gather [hbm4b:s9+s4], $0x4000, $0x38;
	[tilespmem:$0x18100] =	vst v63  }
.LBB2_10:
.Ltmp10:
0xbb: {  	(pc) =	sbr.rel .LBB2_11-.Ltmp10, $3  }
0xbc: {  	_ =	sdelay $0x1  }
0xbd: {  	s8 =	rddreg [dreg:$0x11];
	s20 =	smov.u32 @p1 s20;
	s9 =	simm.s32 $0x0  }
0xbe: {  	s6 =	smov.u32 @p1 s6;
	s8 =	smov.u32 @p1 s8;
	s9 =	simm.s32 @p1 $0x0  }
.LBB2_13:
0xbf: {  	s9 =	sadd.s32 $0x10, s9  }
0xc0: {  	p1 =	seq.s32 s9, $0x400  }
.Ltmp11:
0xc1: {  	_ = 	snop;
	(pc) =	sbr.rel @p1 .LBB2_18-.Ltmp11, $2  }
0xc2: {  	_ =	sdelay $0x2  }
0xc3: {  	s6 =	sadd.s32 s6, s10;
	s8 =	sadd.s32 $0x1000, s8;
	s20 =	sadd.s32 $0x1000, s20  }
.LBB2_11:
0xc4: {  	s10 =	rddreg [dreg:$0x5]  }
0xc5: {  	s11 =	sadd.s32 s9, s10  }
0xc6: {  	s12 =	sand.u32 $0x70, s9;
	s10 =	sand.u32 $0x7F80, s11  }
0xc7: {  	s10 =	sor.u32 s12, s10  }
0xc8: {  	v7 =	vld [tilespmem:s10+$0x0];
	_ =	sdelay $0x4  }
0xc9: {  	vm1 =	veq.s32 v7, $0x0  }
0xca: {  	v7 =	vsel vm1, $0x1, v1  }
0xcb: {  	(xrf0) =	vadd.scan.msk.s32 $0xffff, v7;
	_ =	sdelay $0x5  }
0xcc: {  	v7, _, _ =	vpop (xrf0)  }
0xcd: {  	(v2sf) =	vpush v7, $0xF;
	_ =	sdelay $0xd  }
0xce: {  	[tilespmem:s13], [sflag:$0x9] =	stream.linear.gather [hbm4b:s8+s4], $0x8000, $0x38;
	[tilespmem:$0x18100] =	vst v63  }
0xcf: {  	s7 =	simm.s32 $0x9;
	s10 =	spop (v2sf)  }
0xd0: {  	_ =	swait.ge [sflag:s7], $0x8000  }
0xd1: {  	p1 =	slt.s32 s10, $0x1;
	[sflag:s7] =	ssyncset.done $0x0  }
.Ltmp12:
0xd2: {  	[sflag:s7] =	ssyncadd.s32 $0xFFFF8000;
	(pc) =	sbr.rel @p1 .LBB2_13-.Ltmp12, $4  }
0xd3: {  	[hbm4b:s20+s4] =	stream.linear.scatter [tilespmem:s13], [sflag:$0x9], $0x8000, $0x38;
	[tilespmem:$0x18100] =	vst v63  }
0xd4: {  	_ =	swait.ge [sflag:s7], $0x8000  }
0xd5: {  	[sflag:s7] =	ssyncset.done $0x0  }
0xd6: {  	[sflag:s7] =	ssyncadd.s32 $0xFFFF8000  }
0xd7: {  	v8 =	vor.u32 s11, v3  }
0xd8: {  	v8 =	vnsel vm1, $0xFFFFFFFF, v8  }
0xd9: {  	(xrf0) =	vmin.scan.msk.u32 $0xffff, v8;
	_ =	sdelay $0x5  }
0xda: {  	v8, _, _ =	vpop (xrf0)  }
0xdb: {  	v7 =	vadd.s32 $0xFFFFFFFF, v7;
	(v2sf) =	vpush v8, $0xF  }
0xdc: {  	v7 =	vnsel vm1, $0x0, v7  }
0xdd: {  	v7 =	vadd.s32 s6, v7  }
0xde: {  	[tilespmem:$0x18000] =	vst v7  }
0xdf: {  	v7 =	vld [tilespmem:$0x18000];
	_ =	sdelay $0x4  }
0xe0: {  	v8 =	vshll.u32 v7, $0x4  }
0xe1: {  	v7 =	vand.u32 $0x7, v7;
	v8 =	vand.u32 $0xFFFFFF80, v8  }
0xe2: {  	v7 =	vor.u32 v7, v8  }
0xe3: {  	v8 =	vperm.xlane v7, v4;
	_ =	sdelay $0x1  }
0xe4: {  	v8 =	vadd.s32 v5, v8  }
0xe5: {  	s12 =	spop (v2sf)  }
0xe6: {  	v9 =	vor.u32 s11, v2;
	s18 =	sxor.u32 $0x80000000, s12  }
0xe7: {  	v9 =	vnsel vm1, s18, v9  }
0xe8: {  	[tilespmem:$0x18080] =	vst v9  }
0xe9: {  	[tilespmem:s23], [sflag:$0x1] =	stream.indirect_vreg.gather [hbm4b:s2+s4], $0x80, v8, vm0, $0xb8;
	[tilespmem:$0x18100] =	vst v63  }
0xea: {  	s0 =	rddreg [dreg:$0x6];
	s18 =	simm.s32 $0x10800  }
0xeb: {  	[tilespmem:s18], [sflag:$0x1] =	stream.indirect_vreg.gather [hbm4b:s0+s4], $0x80, v8, vm0, $0xb8;
	[tilespmem:$0x18100] =	vst v63  }
0xec: {  	s5 =	rddreg [dreg:$0x7]  }
0xed: {  	[tilespmem:s19], [sflag:$0x1] =	stream.indirect_vreg.gather [hbm4b:s5+s4], $0x80, v8, vm0, $0xb8;
	[tilespmem:$0x18100] =	vst v63  }
0xee: {  	s13 =	rddreg [dreg:$0x8]  }
0xef: {  	[tilespmem:s22], [sflag:$0x1] =	stream.indirect_vreg.gather [hbm4b:s13+s4], $0x80, v8, vm0, $0xb8;
	[tilespmem:$0x18100] =	vst v63  }
0xf0: {  	s14 =	rddreg [dreg:$0x9];
	s7 =	simm.s32 $0x12000  }
0xf1: {  	[tilespmem:s7], [sflag:$0x1] =	stream.indirect_vreg.gather [hbm4b:s14+s4], $0x80, v8, vm0, $0xb8;
	[tilespmem:$0x18100] =	vst v63  }
0xf2: {  	s15 =	rddreg [dreg:$0xa];
	v7 =	vperm.xlane v7, v6  }
0xf3: {  	[tilespmem:s24], [sflag:$0x1] =	stream.indirect_vreg.gather [hbm4b:s15+s4], $0x80, v8, vm0, $0xb8;
	[tilespmem:$0x18100] =	vst v63  }
0xf4: {  	s16 =	rddreg [dreg:$0xb];
	v7 =	vadd.s32 v5, v7  }
0xf5: {  	[tilespmem:s28], [sflag:$0x1] =	stream.indirect_vreg.gather [hbm4b:s16+s4], $0x80, v8, vm0, $0xb8;
	[tilespmem:$0x18100] =	vst v63  }
0xf6: {  	s17 =	rddreg [dreg:$0xc]  }
0xf7: {  	[tilespmem:s26], [sflag:$0x1] =	stream.indirect_vreg.gather [hbm4b:s17+s4], $0x80, v8, vm0, $0xb8;
	[tilespmem:$0x18100] =	vst v63  }
0xf8: {  	_ = 	snop  }
0xf9: {  	[tilespmem:s25], [sflag:$0x1] =	stream.indirect_vreg.gather [hbm4b:s2+s4], $0x80, v7, vm0, $0xb8;
	[tilespmem:$0x18100] =	vst v63  }
0xfa: {  	s3 =	simm.s32 $0x14800  }
0xfb: {  	[tilespmem:s3], [sflag:$0x1] =	stream.indirect_vreg.gather [hbm4b:s0+s4], $0x80, v7, vm0, $0xb8;
	[tilespmem:$0x18100] =	vst v63  }
0xfc: {  	_ = 	snop  }
0xfd: {  	[tilespmem:s29], [sflag:$0x1] =	stream.indirect_vreg.gather [hbm4b:s5+s4], $0x80, v7, vm0, $0xb8;
	[tilespmem:$0x18100] =	vst v63  }
0xfe: {  	_ = 	snop  }
0xff: {  	[tilespmem:s30], [sflag:$0x1] =	stream.indirect_vreg.gather [hbm4b:s13+s4], $0x80, v7, vm0, $0xb8;
	[tilespmem:$0x18100] =	vst v63  }
0x100: {  	_ = 	snop  }
0x101: {  	[tilespmem:s31], [sflag:$0x1] =	stream.indirect_vreg.gather [hbm4b:s14+s4], $0x80, v7, vm0, $0xb8;
	[tilespmem:$0x18100] =	vst v63  }
0x102: {  	s0 =	simm.s32 $0x16800  }
0x103: {  	[tilespmem:s0], [sflag:$0x1] =	stream.indirect_vreg.gather [hbm4b:s15+s4], $0x80, v7, vm0, $0xb8;
	[tilespmem:$0x18100] =	vst v63  }
0x104: {  	s5 =	simm.s32 $0x17000  }
0x105: {  	[tilespmem:s5], [sflag:$0x1] =	stream.indirect_vreg.gather [hbm4b:s16+s4], $0x80, v7, vm0, $0xb8;
	[tilespmem:$0x18100] =	vst v63  }
0x106: {  	s12 =	simm.s32 $0x1  }
0x107: {  	[tilespmem:s21], [sflag:$0x1] =	stream.indirect_vreg.gather [hbm4b:s17+s4], $0x80, v7, vm0, $0xb8;
	[tilespmem:$0x18100] =	vst v63  }
0x108: {  	_ =	swait.ge [sflag:s12], $0x8000  }
0x109: {  	[sflag:s12] =	ssyncset.done $0x0  }
0x10a: {  	[sflag:s12] =	ssyncadd.s32 $0xFFFF8000  }
0x10b: {  	v7 =	vld [tilespmem:$0x18080];
	_ =	sdelay $0x4  }
0x10c: {  	v8 =	vshll.u32 v7, $0x4  }
0x10d: {  	v7 =	vand.u32 $0x7, v7;
	v8 =	vand.u32 $0xFFFFFF80, v8  }
0x10e: {  	v7 =	vor.u32 v7, v8  }
0x10f: {  	v8 =	vperm.xlane v7, v4;
	_ =	sdelay $0x1  }
0x110: {  	v8 =	vadd.s32 v5, v8;
	_ =	sdelay $0x3  }
0x111: {  	s11 =	rddreg [dreg:$0x3]  }
0x112: {  	[hbm4b:s11+s4] =	stream.indirect_vreg.scatter [tilespmem:s23], [sflag:$0x5], $0x80, v8, vm0, $0xb8;
	[tilespmem:$0x18100] =	vst v63  }
0x113: {  	s13 =	rddreg [dreg:$0xd]  }
0x114: {  	[hbm4b:s13+s4] =	stream.indirect_vreg.scatter [tilespmem:s18], [sflag:$0x5], $0x80, v8, vm0, $0xb8;
	[tilespmem:$0x18100] =	vst v63  }
0x115: {  	s14 =	rddreg [dreg:$0xe]  }
0x116: {  	[hbm4b:s14+s4] =	stream.indirect_vreg.scatter [tilespmem:s19], [sflag:$0x5], $0x80, v8, vm0, $0xb8;
	[tilespmem:$0x18100] =	vst v63  }
0x117: {  	s15 =	rddreg [dreg:$0xf]  }
0x118: {  	[hbm4b:s15+s4] =	stream.indirect_vreg.scatter [tilespmem:s22], [sflag:$0x5], $0x80, v8, vm0, $0xb8;
	[tilespmem:$0x18100] =	vst v63  }
0x119: {  	s16 =	rddreg [dreg:$0x10]  }
0x11a: {  	[hbm4b:s16+s4] =	stream.indirect_vreg.scatter [tilespmem:s7], [sflag:$0x5], $0x80, v8, vm0, $0xb8;
	[tilespmem:$0x18100] =	vst v63  }
0x11b: {  	s17 =	rddreg [dreg:$0x14];
	v7 =	vperm.xlane v7, v6  }
0x11c: {  	[hbm4b:s17+s4] =	stream.indirect_vreg.scatter [tilespmem:s24], [sflag:$0x5], $0x80, v8, vm0, $0xb8;
	[tilespmem:$0x18100] =	vst v63  }
0x11d: {  	v7 =	vadd.s32 v5, v7;
	s18 =	rddreg [dreg:$0x15]  }
0x11e: {  	[hbm4b:s18+s4] =	stream.indirect_vreg.scatter [tilespmem:s28], [sflag:$0x5], $0x80, v8, vm0, $0xb8;
	[tilespmem:$0x18100] =	vst v63  }
0x11f: {  	s7 =	rddreg [dreg:$0x16]  }
0x120: {  	[hbm4b:s7+s4] =	stream.indirect_vreg.scatter [tilespmem:s26], [sflag:$0x5], $0x80, v8, vm0, $0xb8;
	[tilespmem:$0x18100] =	vst v63  }
0x121: {  	_ = 	snop  }
0x122: {  	[hbm4b:s11+s4] =	stream.indirect_vreg.scatter [tilespmem:s25], [sflag:$0x5], $0x80, v7, vm0, $0xb8;
	[tilespmem:$0x18100] =	vst v63  }
0x123: {  	_ = 	snop  }
0x124: {  	[hbm4b:s13+s4] =	stream.indirect_vreg.scatter [tilespmem:s3], [sflag:$0x5], $0x80, v7, vm0, $0xb8;
	[tilespmem:$0x18100] =	vst v63  }
0x125: {  	_ = 	snop  }
0x126: {  	[hbm4b:s14+s4] =	stream.indirect_vreg.scatter [tilespmem:s29], [sflag:$0x5], $0x80, v7, vm0, $0xb8;
	[tilespmem:$0x18100] =	vst v63  }
0x127: {  	_ = 	snop  }
0x128: {  	[hbm4b:s15+s4] =	stream.indirect_vreg.scatter [tilespmem:s30], [sflag:$0x5], $0x80, v7, vm0, $0xb8;
	[tilespmem:$0x18100] =	vst v63  }
0x129: {  	_ = 	snop  }
0x12a: {  	[hbm4b:s16+s4] =	stream.indirect_vreg.scatter [tilespmem:s31], [sflag:$0x5], $0x80, v7, vm0, $0xb8;
	[tilespmem:$0x18100] =	vst v63  }
0x12b: {  	_ = 	snop  }
0x12c: {  	[hbm4b:s17+s4] =	stream.indirect_vreg.scatter [tilespmem:s0], [sflag:$0x5], $0x80, v7, vm0, $0xb8;
	[tilespmem:$0x18100] =	vst v63  }
0x12d: {  	_ = 	snop  }
0x12e: {  	[hbm4b:s18+s4] =	stream.indirect_vreg.scatter [tilespmem:s5], [sflag:$0x5], $0x80, v7, vm0, $0xb8;
	[tilespmem:$0x18100] =	vst v63  }
.Ltmp13:
0x12f: {  	_ = 	snop;
	(pc) =	sbr.rel .LBB2_13-.Ltmp13, $4  }
0x130: {  	[hbm4b:s7+s4] =	stream.indirect_vreg.scatter [tilespmem:s21], [sflag:$0x5], $0x80, v7, vm0, $0xb8;
	[tilespmem:$0x18100] =	vst v63  }
0x131: {  	s13 =	simm.s32 $0x8000;
	_ =	swait.ge [sflag:s1], $0x8000  }
0x132: {  	s14 =	simm.s32 $0x4;
	s15 =	simm.s32 $0x6;
	[sflag:s1] =	ssyncset.done $0x0  }
0x133: {  	s16 =	simm.s32 $0x7;
	s17 =	simm.s32 $0x8;
	[sflag:s1] =	ssyncadd.s32 $0xFFFF8000  }
.LBB2_3:
.Ltmp14:
0x134: {  	(pc) =	sbr.rel .LBB2_6-.Ltmp14, $2  }
0x135: {  	_ =	sdelay $0x2  }
0x136: {  	_ = 	snop  }
.LBB2_19:
0x137: {  	_ =	sfence.sel $0x180000  }
0x138: {  	[bflag:$0x0] =	sbarrier.arrive $0xFFFF  }
0x139: {  	_ =	strace $0x90000047  }
0x13a: {  	s0 =	stileid.u32;
	[bflag:$0x2] =	sbarrier.arrive $0xFFFF  }
0x13b: {  	p0 =	sne.s32 s0, $0x0;
	s0 =	rddreg [dreg:$0x4]  }
0x13c: {  	s0 =	sadd.s32 @!p0 $0x100000, s0  }
0x13d: {  	[sflag:s0] =	ssyncadd.tile.s32 @!p0 $0x1;
	_ =	shalt  }
.Lfunc_end2:
_tile_overlayer_lowered:
.L_overlay_start_2:
0x13e: {  	(tag) =	ssettag $0x2  }
0x13f: {  	s0 =	rddreg [dreg:$0x0];
	s2 =	stileid.u32  }
0x140: {  	s1 =	rddreg [dreg:$0x1];
	p0 =	sne.s32 s2, $0x0  }
0x141: {  	s3 =	rddreg [dreg:$0x2];
	[bflag:$0x3] =	sbarrier.arrive $0xFFFF;
	s2 =	simm.s32 @!p0 $0x1C09  }
0x142: {  	[timem:s3], [sflag:s2] =	dma.local @!p0 [hbm:s0], s1  }
0x143: {  	s0 =	simm.s32 @!p0 $0x9  }
0x144: {  	_ =	swait.ge @!p0 [sflag:s0], s1  }
0x145: {  	s1 =	ssub.s32 @!p0 $0x0, s1;
	[sflag:s0] =	ssyncset.done @!p0 $0x0  }
0x146: {  	[sflag:s0] =	ssyncadd.s32 @!p0 s1  }
0x147: {  	[bflag:$0x3] =	sbarrier.arrive $0xFFFF  }
0x148: {  	_ =	shalt  }

</sc_bundles>
